<compile_context>
chip_gen: v7x
topology: tpu7x:2x2x1
jax: 0.10.2.dev20260603
libtpu: 0.0.44.dev20260713+nightly
codegen_flags: <defaults>
</compile_context>

<pallas_src>
import functools

import jax
import jax.numpy as jnp
from jax import lax
from jax.experimental import pallas as pl
from jax.experimental.pallas import tpu as pltpu
from jax.experimental.pallas import tpu_sc as plsc

N = 10000
E = 320000
D = 128
H = 256
G = 64

C = 125
NCH = E // C
NSUB = 16
NCORE = 2
NP = 10240
STRIPE = NP // NSUB
IB = 40
BN = 1000
NBLK = N // BN

_MESH = plsc.VectorSubcoreMesh(core_axis_name="c", subcore_axis_name="s")
_PREC = lax.Precision.HIGHEST


def _deg128(col2d, ones_src, zrows):
    kpt = NCH // (NCORE * NSUB)

    @functools.partial(
        pl.kernel,
        out_type=jax.ShapeDtypeStruct((NCORE, NP, 128), jnp.float32),
        mesh=_MESH,
        scratch_types=[
            pltpu.VMEM((kpt, C), jnp.int32),
            pltpu.VMEM((C, 128), jnp.float32),
            pltpu.VMEM_SHARED((NP, 128), jnp.float32),
            pltpu.SemaphoreType.DMA,
        ],
    )
    def k(col_hbm, ones_hbm, z_hbm, out_hbm, colbuf, onesv, acc, sem):
        c = lax.axis_index("c")
        s = lax.axis_index("s")
        wid = c * NSUB + s
        pltpu.sync_copy(z_hbm, acc.at[pl.ds(s * STRIPE, STRIPE)])
        pltpu.sync_copy(ones_hbm, onesv)
        pltpu.sync_copy(col_hbm.at[pl.ds(wid * kpt, kpt)], colbuf)
        plsc.subcore_barrier()

        fk = 8

        @pl.loop(0, kpt // fk)
        def _(g):
            for u in range(fk):
                pltpu.async_copy(onesv, acc.at[colbuf.at[g * fk + u]], sem,
                                 add=True)
            for u in range(fk):
                pltpu.make_async_copy(onesv, acc.at[colbuf.at[g * fk + u]],
                                      sem).wait()

        plsc.subcore_barrier()
        pltpu.sync_copy(acc.at[pl.ds(s * STRIPE, STRIPE)],
                        out_hbm.at[c, pl.ds(s * STRIPE, STRIPE)])

    return k(col2d, ones_src, zrows)


def _db_pairs(y_hbm, rowbuf, colbuf, g0, g1, acc, sem0, sem1):

    def start(j, g, sem):
        pltpu.async_copy(y_hbm.at[rowbuf.at[j]], g, sem)

    def wait(j, g, sem):
        pltpu.make_async_copy(y_hbm.at[rowbuf.at[j]], g, sem).wait()

    start(0, g0, sem0)

    @pl.loop(0, IB // 2)
    def _(i):
        j0 = 2 * i
        wait(j0, g0, sem0)
        start(j0 + 1, g1, sem1)
        pltpu.sync_copy(g0, acc.at[colbuf.at[j0]], add=True)
        wait(j0 + 1, g1, sem1)

        @pl.when(i < IB // 2 - 1)
        def _():
            start(j0 + 2, g0, sem0)

        pltpu.sync_copy(g1, acc.at[colbuf.at[j0 + 1]], add=True)


def _propagate_edge_split(row2d, col2d, y, zrows):
    kpt = NCH // (NCORE * NSUB)
    nb = kpt // IB

    @functools.partial(
        pl.kernel,
        out_type=jax.ShapeDtypeStruct((NCORE, NP, 128), jnp.float32),
        mesh=_MESH,
        scratch_types=[
            pltpu.VMEM((IB, C), jnp.int32),
            pltpu.VMEM((IB, C), jnp.int32),
            pltpu.VMEM((C, 128), jnp.float32),
            pltpu.VMEM((C, 128), jnp.float32),
            pltpu.VMEM_SHARED((NP, 128), jnp.float32),
            pltpu.SemaphoreType.DMA,
            pltpu.SemaphoreType.DMA,
        ],
    )
    def k(row_hbm, col_hbm, y_hbm, z_hbm, out_hbm, rowbuf, colbuf,
          g0, g1, acc, sem0, sem1):
        c = lax.axis_index("c")
        s = lax.axis_index("s")
        wid = c * NSUB + s
        pltpu.sync_copy(z_hbm, acc.at[pl.ds(s * STRIPE, STRIPE)])
        plsc.subcore_barrier()

        @pl.loop(0, nb)
        def _(b):
            base = wid * kpt + b * IB
            pltpu.sync_copy(row_hbm.at[pl.ds(base, IB)], rowbuf)
            pltpu.sync_copy(col_hbm.at[pl.ds(base, IB)], colbuf)
            _db_pairs(y_hbm, rowbuf, colbuf, g0, g1, acc, sem0, sem1)

        plsc.subcore_barrier()
        pltpu.sync_copy(acc.at[pl.ds(s * STRIPE, STRIPE)],
                        out_hbm.at[c, pl.ds(s * STRIPE, STRIPE)])

    return k(row2d, col2d, y, zrows)


def _propagate_feat_split(rowpair, col2d, ycat, zrows):
    kps = NCH // NSUB
    nb = kps // IB

    @functools.partial(
        pl.kernel,
        out_type=jax.ShapeDtypeStruct((NCORE, NP, 128), jnp.float32),
        mesh=_MESH,
        scratch_types=[
            pltpu.VMEM((IB, C), jnp.int32),
            pltpu.VMEM((IB, C), jnp.int32),
            pltpu.VMEM((C, 128), jnp.float32),
            pltpu.VMEM((C, 128), jnp.float32),
            pltpu.VMEM_SHARED((NP, 128), jnp.float32),
            pltpu.SemaphoreType.DMA,
            pltpu.SemaphoreType.DMA,
        ],
    )
    def k(rowp_hbm, col_hbm, y_hbm, z_hbm, out_hbm, rowbuf, colbuf,
          g0, g1, acc, sem0, sem1):
        c = lax.axis_index("c")
        s = lax.axis_index("s")
        pltpu.sync_copy(z_hbm, acc.at[pl.ds(s * STRIPE, STRIPE)])
        plsc.subcore_barrier()

        @pl.loop(0, nb)
        def _(b):
            base = s * kps + b * IB
            pltpu.sync_copy(rowp_hbm.at[c, pl.ds(base, IB)], rowbuf)
            pltpu.sync_copy(col_hbm.at[pl.ds(base, IB)], colbuf)
            _db_pairs(y_hbm, rowbuf, colbuf, g0, g1, acc, sem0, sem1)

        plsc.subcore_barrier()
        pltpu.sync_copy(acc.at[pl.ds(s * STRIPE, STRIPE)],
                        out_hbm.at[c, pl.ds(s * STRIPE, STRIPE)])

    return k(rowpair, col2d, ycat, zrows)


def _dis_from_deg(deg_blk):
    d = deg_blk[0, :, 0] + deg_blk[1, :, 0] + 1.0
    r = lax.rsqrt(d)
    r = r * (1.5 - 0.5 * d * r * r)
    return r[:, None]


def _bf16r(a):
    return a.astype(jnp.bfloat16).astype(jnp.float32)


def _tc_scale(deg16, x):
    def body(deg_ref, x_ref, y_ref, dis_ref):
        dis = _dis_from_deg(deg_ref[...])
        y_ref[...] = _bf16r(x_ref[...]) * dis
        dis_ref[...] = dis

    return pl.pallas_call(
        body,
        grid=(NBLK,),
        in_specs=[
            pl.BlockSpec((NCORE, BN, 128), lambda i: (0, i, 0)),
            pl.BlockSpec((BN, D), lambda i: (i, 0)),
        ],
        out_specs=[
            pl.BlockSpec((BN, D), lambda i: (i, 0)),
            pl.BlockSpec((BN, 1), lambda i: (i, 0)),
        ],
        out_shape=[
            jax.ShapeDtypeStruct((N, D), jnp.float32),
            jax.ShapeDtypeStruct((N, 1), jnp.float32),
        ],
    )(deg16, x)


def _tc_layer1(S1, dis1, x, Wc1, bc1, Wc2):
    def body(S_ref, dis_ref, x_ref, w_ref, b_ref, w2_ref, y_ref):
        dis = dis_ref[...]
        s = S_ref[...]
        scat = s[0] + s[1]
        prop = dis * scat + (dis * dis) * _bf16r(x_ref[...])
        h = lax.dot_general(prop, _bf16r(w_ref[...]), (((1,), (0,)), ((), ())),
                            precision=_PREC,
                            preferred_element_type=jnp.float32)
        h = jnp.maximum(h + b_ref[...], 0.0)
        xw2 = lax.dot_general(_bf16r(h), _bf16r(w2_ref[...]),
                              (((1,), (0,)), ((), ())),
                              precision=lax.Precision.DEFAULT,
                              preferred_element_type=jnp.float32)
        y2 = dis * xw2
        y_ref[0] = y2[:, : H // 2]
        y_ref[1] = y2[:, H // 2:]

    return pl.pallas_call(
        body,
        grid=(NBLK,),
        in_specs=[
            pl.BlockSpec((NCORE, BN, D), lambda i: (0, i, 0)),
            pl.BlockSpec((BN, 1), lambda i: (i, 0)),
            pl.BlockSpec((BN, D), lambda i: (i, 0)),
            pl.BlockSpec((D, H), lambda i: (0, 0)),
            pl.BlockSpec((1, H), lambda i: (0, 0)),
            pl.BlockSpec((H, H), lambda i: (0, 0)),
        ],
        out_specs=pl.BlockSpec((NCORE, BN, H // 2), lambda i: (0, i, 0)),
        out_shape=jax.ShapeDtypeStruct((NCORE, N, H // 2), jnp.float32),
    )(S1, dis1, x, Wc1, bc1.reshape(1, H), Wc2)


def _tc_pool_head(S2, y2s, dis1, bm3, bc2, Wl1, bl1, Wl2, bl2):
    def body(S_ref, y_ref, dis_ref, bm_ref, b_ref,
             wl1_ref, bl1_ref, wl2_ref, bl2_ref, out_ref, pool_ref, cnt_ref):
        i = pl.program_id(0)

        @pl.when(i == 0)
        def _():
            pool_ref[...] = jnp.zeros_like(pool_ref)
            cnt_ref[...] = jnp.zeros_like(cnt_ref)

        dis = dis_ref[...]
        s = S_ref[...]
        scat = jnp.concatenate([s[0], s[1]], axis=1)
        y = y_ref[...]
        ycat = jnp.concatenate([y[0], y[1]], axis=1)
        h2 = jnp.maximum(dis * (scat + ycat) + b_ref[...], 0.0)

        bm = bm_ref[...][0, 0]
        gids = lax.broadcasted_iota(jnp.int32, (1, G), 1)
        onehot = (bm[:, None] == gids).astype(jnp.float32)
        pool_ref[...] += lax.dot_general(
            onehot, h2, (((0,), (0,)), ((), ())),
            precision=_PREC, preferred_element_type=jnp.float32)
        ones = jnp.ones((BN, 128), jnp.float32)
        cnt_ref[...] += lax.dot_general(
            onehot, ones, (((0,), (0,)), ((), ())),
            precision=_PREC, preferred_element_type=jnp.float32)

        @pl.when(i == NBLK - 1)
        def _():
            pool = pool_ref[...] / jnp.maximum(cnt_ref[...][:, 0:1], 1.0)
            p = lax.dot_general(_bf16r(pool), _bf16r(wl1_ref[...]),
                                (((1,), (1,)), ((), ())),
                                precision=lax.Precision.DEFAULT,
                                preferred_element_type=jnp.float32)
            p = jnp.maximum(p + bl1_ref[...], 0.0)
            o = jnp.sum(_bf16r(p) * _bf16r(wl2_ref[...]), axis=1,
                        keepdims=True)
            out_ref[...] = o + bl2_ref[...]

    return pl.pallas_call(
        body,
        grid=(NBLK,),
        in_specs=[
            pl.BlockSpec((NCORE, BN, H // 2), lambda i: (0, i, 0)),
            pl.BlockSpec((NCORE, BN, H // 2), lambda i: (0, i, 0)),
            pl.BlockSpec((BN, 1), lambda i: (i, 0)),
            pl.BlockSpec((1, 1, BN), lambda i: (i, 0, 0)),
            pl.BlockSpec((1, H), lambda i: (0, 0)),
            pl.BlockSpec((128, H), lambda i: (0, 0)),
            pl.BlockSpec((1, 128), lambda i: (0, 0)),
            pl.BlockSpec((1, 128), lambda i: (0, 0)),
            pl.BlockSpec((1, 1), lambda i: (0, 0)),
        ],
        out_specs=pl.BlockSpec((G, 1), lambda i: (0, 0)),
        out_shape=jax.ShapeDtypeStruct((G, 1), jnp.float32),
        scratch_shapes=[
            pltpu.VMEM((G, H), jnp.float32),
            pltpu.VMEM((G, 128), jnp.float32),
        ],
    )(S2, y2s, dis1, bm3, bc2.reshape(1, H), Wl1,
      bl1.reshape(1, 128), Wl2, bl2.reshape(1, 1))


def kernel(x, edge_index, batch_map, Wc1, bc1, Wc2, bc2, Wl1, bl1, Wl2, bl2):
    row2d = edge_index[0].reshape(NCH, C)
    col2d = edge_index[1].reshape(NCH, C)
    bm3 = batch_map.reshape(NBLK, 1, BN)

    rowpair = jnp.stack([row2d, row2d + N])
    ones_src = jnp.ones((C, 128), jnp.float32)
    z128 = jnp.zeros((STRIPE, 128), jnp.float32)

    deg16 = _deg128(col2d, ones_src, z128)
    y1, dis1 = _tc_scale(deg16, x)
    S1 = _propagate_edge_split(row2d, col2d, y1, z128)
    y2s = _tc_layer1(S1, dis1, x, Wc1, bc1, Wc2)
    ycat = y2s.reshape(NCORE * N, H // 2)
    S2 = _propagate_feat_split(rowpair, col2d, ycat, z128)
    return _tc_pool_head(S2, y2s, dis1, bm3, bc2, Wl1, bl1, Wl2, bl2)

# --- scband reference (transcript-rebuilt; emitter-appended) ---
"""Pipeline reference for scband-gcn-53558242181926 (READ-ONLY COPY).

The authoritative reference and input builder live on the scoring server;
editing this copy changes nothing except your own understanding.
"""

import jax, jax.numpy as jnp
import numpy as np

N = 10000
E = 320000
D = 128
H = 256
G = 64


def gcn_conv(x, edge_index, W, b):
    # PyG GCNConv: x' = D^{-1/2} (A + I) D^{-1/2} (x W) + b
    n = x.shape[0]
    loops = jnp.arange(n, dtype=edge_index.dtype)
    row = jnp.concatenate([edge_index[0], loops])  # src
    col = jnp.concatenate([edge_index[1], loops])  # dst
    xw = x @ W  # [n, out]
    deg = jnp.zeros((n,), x.dtype).at[col].add(1.0)
    dis = jax.lax.rsqrt(jnp.maximum(deg, 1.0))
    norm = dis[row] * dis[col]  # [E+n]
    msgs = jnp.take(xw, row, axis=0) * norm[:, None]
    out = jnp.zeros((n, W.shape[1]), x.dtype).at[col].add(msgs)
    return out + b


def global_mean_pool(x, batch_map, num_graphs):
    sums = jax.ops.segment_sum(x, batch_map, num_segments=num_graphs)
    cnts = jax.ops.segment_sum(jnp.ones((x.shape[0], 1), x.dtype), batch_map, num_segments=num_graphs)
    return sums / jnp.maximum(cnts, 1.0)


def setup_inputs(seed: int = 0) -> dict:
    key = jax.random.key(seed)
    ks = jax.random.split(key, 12)
    x = jax.random.normal(ks[0], (N, D), jnp.float32)
    edge_index = jax.random.randint(ks[1], (2, E), 0, N, jnp.int32)
    batch_map = jnp.sort(jax.random.randint(ks[2], (N,), 0, G, jnp.int32))
    # GCNConv layer 1: in=128 -> out=256 (weight stored [in, out])
    Wc1 = jax.random.normal(ks[3], (D, H), jnp.float32) * (1.0 / np.sqrt(D))
    bc1 = jnp.zeros((H,), jnp.float32)
    # GCNConv layer 2: 256 -> 256
    Wc2 = jax.random.normal(ks[4], (H, H), jnp.float32) * (1.0 / np.sqrt(H))
    bc2 = jnp.zeros((H,), jnp.float32)
    # Linear(256 -> 128), torch convention [out, in]
    Wl1 = jax.random.normal(ks[5], (128, H), jnp.float32) * (1.0 / np.sqrt(H))
    bl1 = jnp.zeros((128,), jnp.float32)
    # Linear(128 -> 1)
    Wl2 = jax.random.normal(ks[6], (1, 128), jnp.float32) * (1.0 / np.sqrt(128))
    bl2 = jnp.zeros((1,), jnp.float32)
    return {"x": x, "edge_index": edge_index, "batch_map": batch_map,
            "Wc1": Wc1, "bc1": bc1, "Wc2": Wc2, "bc2": bc2,
            "Wl1": Wl1, "bl1": bl1, "Wl2": Wl2, "bl2": bl2}


def reference(x, edge_index, batch_map, Wc1, bc1, Wc2, bc2, Wl1, bl1, Wl2, bl2):
    h = jax.nn.relu(gcn_conv(x, edge_index, Wc1, bc1))
    h = jax.nn.relu(gcn_conv(h, edge_index, Wc2, bc2))
    p = global_mean_pool(h, batch_map, G)
    p = jax.nn.relu(p @ Wl1.T + bl1)
    out = p @ Wl2.T + bl2
    return out

if __name__ == "__main__":
    import jax
    _d = setup_inputs()
    print(jax.jit(kernel)(*tuple(_d.values())))

</pallas_src>

<mosaic_0001>
#map = affine_map<(d0, d1) -> (0, 0)>
#map1 = affine_map<(d0, d1) -> (0, 0, 0)>
module attributes {stable_mosaic.version = 14 : i64} {
  func.func @k(%arg0: i32, %arg1: i32, %arg2: memref<2560x125xi32, #tpu.memory_space<hbm>>, %arg3: memref<125x128xf32, #tpu.memory_space<hbm>>, %arg4: memref<640x128xf32, #tpu.memory_space<hbm>>, %arg5: memref<2x10240x128xf32, #tpu.memory_space<hbm>>, %arg6: memref<80x125xi32, #tpu.memory_space<vmem>>, %arg7: memref<125x128xf32, #tpu.memory_space<vmem>>, %arg8: memref<10240x128xf32, #tpu.memory_space<vmem_shared>>, %arg9: memref<!tpu.dma_semaphore, #tpu.memory_space<semaphore_mem>>) attributes {dimension_semantics = [#tpu.dimension_semantics<core_parallel>, #tpu.dimension_semantics<subcore_parallel>], iteration_bounds = array<i64: 2, 16>, scalar_prefetch = 0 : i64, scratch_operands = 4 : i64, tpu.core_type = #tpu.core_type<sc_vector_subcore>, window_params = [{transform_indices = #map}, {transform_indices = #map}, {transform_indices = #map}, {transform_indices = #map1}]} {
    %mul3A = arith.constant 16 : i32
    %mul3A_0 = arith.muli %arg0, %mul3A : i32
    %add3A = arith.addi %mul3A_0, %arg1 : i32
    %mul3A_1 = arith.constant 640 : i32
    %mul3A_2 = arith.muli %arg1, %mul3A_1 : i32
    "tpu.region"() ({
      %run_scoped3A = tpu.sem_alloc : memref<!tpu.dma_semaphore, #tpu.memory_space<semaphore_mem>>
      %dma_start3A = arith.constant 0 : i32
      %dma_start3A_14 = tpu.memref_slice %arg8[%mul3A_2, %dma_start3A] : memref<10240x128xf32, #tpu.memory_space<vmem_shared>> -> memref<640x128xf32, #tpu.memory_space<vmem_shared>>
      tpu.enqueue_dma source(%arg4 : memref<640x128xf32, #tpu.memory_space<hbm>>) target(%dma_start3A_14 : memref<640x128xf32, #tpu.memory_space<vmem_shared>>) target_semaphore(%run_scoped3A : memref<!tpu.dma_semaphore, #tpu.memory_space<semaphore_mem>>)
      %dma_wait3A = arith.constant 0 : i32
      %dma_wait3A_15 = tpu.memref_slice %arg8[%mul3A_2, %dma_wait3A] : memref<10240x128xf32, #tpu.memory_space<vmem_shared>> -> memref<640x128xf32, #tpu.memory_space<vmem_shared>>
      tpu.wait_dma2 semaphore(%run_scoped3A : memref<!tpu.dma_semaphore, #tpu.memory_space<semaphore_mem>>) src(%arg4 : memref<640x128xf32, #tpu.memory_space<hbm>>) dst(%dma_wait3A_15 : memref<640x128xf32, #tpu.memory_space<vmem_shared>>)
      tpu.yield
    }) : () -> ()
    "tpu.region"() ({
      %run_scoped3A = tpu.sem_alloc : memref<!tpu.dma_semaphore, #tpu.memory_space<semaphore_mem>>
      tpu.enqueue_dma source(%arg3 : memref<125x128xf32, #tpu.memory_space<hbm>>) target(%arg7 : memref<125x128xf32, #tpu.memory_space<vmem>>) target_semaphore(%run_scoped3A : memref<!tpu.dma_semaphore, #tpu.memory_space<semaphore_mem>>)
      tpu.wait_dma2 semaphore(%run_scoped3A : memref<!tpu.dma_semaphore, #tpu.memory_space<semaphore_mem>>) src(%arg3 : memref<125x128xf32, #tpu.memory_space<hbm>>) dst(%arg7 : memref<125x128xf32, #tpu.memory_space<vmem>>)
      tpu.yield
    }) : () -> ()
    %mul3A_3 = arith.constant 80 : i32
    %mul3A_4 = arith.muli %add3A, %mul3A_3 : i32
    "tpu.region"() ({
      %run_scoped3A = tpu.sem_alloc : memref<!tpu.dma_semaphore, #tpu.memory_space<semaphore_mem>>
      %dma_start3A = arith.constant 0 : i32
      %dma_start3A_14 = tpu.memref_slice %arg2[%mul3A_4, %dma_start3A] : memref<2560x125xi32, #tpu.memory_space<hbm>> -> memref<80x125xi32, #tpu.memory_space<hbm>>
      %dma_start3A_15 = arith.constant 0 : i32
      %dma_start3A_16 = tpu.memref_slice %arg2[%mul3A_4, %dma_start3A_15] : memref<2560x125xi32, #tpu.memory_space<hbm>> -> memref<80x125xi32, #tpu.memory_space<hbm>>
      tpu.enqueue_dma source(%dma_start3A_16 : memref<80x125xi32, #tpu.memory_space<hbm>>) target(%arg6 : memref<80x125xi32, #tpu.memory_space<vmem>>) target_semaphore(%run_scoped3A : memref<!tpu.dma_semaphore, #tpu.memory_space<semaphore_mem>>)
      %dma_wait3A = arith.constant 0 : i32
      %dma_wait3A_17 = tpu.memref_slice %arg2[%mul3A_4, %dma_wait3A] : memref<2560x125xi32, #tpu.memory_space<hbm>> -> memref<80x125xi32, #tpu.memory_space<hbm>>
      %dma_wait3A_18 = arith.constant 0 : i32
      %dma_wait3A_19 = tpu.memref_slice %arg2[%mul3A_4, %dma_wait3A_18] : memref<2560x125xi32, #tpu.memory_space<hbm>> -> memref<80x125xi32, #tpu.memory_space<hbm>>
      tpu.wait_dma2 semaphore(%run_scoped3A : memref<!tpu.dma_semaphore, #tpu.memory_space<semaphore_mem>>) src(%dma_wait3A_19 : memref<80x125xi32, #tpu.memory_space<hbm>>) dst(%arg6 : memref<80x125xi32, #tpu.memory_space<vmem>>)
      tpu.yield
    }) : () -> ()
    %barrier3A = arith.constant 0 : index
    tpu.barrier barrier_id(%barrier3A)
    %scan3A = arith.constant 0 : i32
    %scan3A_5 = arith.constant 10 : i32
    %scan3A_6 = arith.addi %scan3A, %scan3A_5 : i32
    %scan3A_7 = arith.constant 1 : i32
    scf.for %scan3A_14 = %scan3A to %scan3A_6 step %scan3A_7  : i32 {
      %mul3A_15 = arith.constant 1 : i32
      %mul3A_16 = arith.muli %scan3A_14, %mul3A_15 : i32
      %add3A_17 = arith.constant 0 : i32
      %add3A_18 = arith.addi %add3A_17, %mul3A_16 : i32
      %mul3A_19 = arith.constant 8 : i32
      %mul3A_20 = arith.muli %add3A_18, %mul3A_19 : i32
      %add3A_21 = arith.constant 0 : i32
      %add3A_22 = arith.addi %mul3A_20, %add3A_21 : i32
      %dma_start3A = arith.constant 0 : i32
      %dma_start3A_23 = tpu.memref_slice %arg6[%add3A_22, %dma_start3A] : memref<80x125xi32, #tpu.memory_space<vmem>> -> memref<1x125xi32, #tpu.memory_space<vmem>>
      %dma_start3A_24 = tpu.memref_squeeze %dma_start3A_23 : memref<1x125xi32, #tpu.memory_space<vmem>> -> memref<125xi32, #tpu.memory_space<vmem>>
      %dma_start3A_25 = arith.constant 0 : i32
      %dma_start3A_26 = arith.constant 0 : i32
      %dma_start3A_27 = tpu.memref_slice %arg8[%dma_start3A_25, %dma_start3A_26] : memref<10240x128xf32, #tpu.memory_space<vmem_shared>> -> memref<10240x128xf32, #tpu.memory_space<vmem_shared>>
      tpu.enqueue_indirect_dma source(%arg7 : memref<125x128xf32, #tpu.memory_space<vmem>>) target(%dma_start3A_27 : memref<10240x128xf32, #tpu.memory_space<vmem_shared>>) offsets(%dma_start3A_24 : memref<125xi32, #tpu.memory_space<vmem>>) semaphore(%arg9 : memref<!tpu.dma_semaphore, #tpu.memory_space<semaphore_mem>>) {add = true}
      %mul3A_28 = arith.constant 8 : i32
      %mul3A_29 = arith.muli %add3A_18, %mul3A_28 : i32
      %add3A_30 = arith.constant 1 : i32
      %add3A_31 = arith.addi %mul3A_29, %add3A_30 : i32
      %dma_start3A_32 = arith.constant 0 : i32
      %dma_start3A_33 = tpu.memref_slice %arg6[%add3A_31, %dma_start3A_32] : memref<80x125xi32, #tpu.memory_space<vmem>> -> memref<1x125xi32, #tpu.memory_space<vmem>>
      %dma_start3A_34 = tpu.memref_squeeze %dma_start3A_33 : memref<1x125xi32, #tpu.memory_space<vmem>> -> memref<125xi32, #tpu.memory_space<vmem>>
      %dma_start3A_35 = arith.constant 0 : i32
      %dma_start3A_36 = arith.constant 0 : i32
      %dma_start3A_37 = tpu.memref_slice %arg8[%dma_start3A_35, %dma_start3A_36] : memref<10240x128xf32, #tpu.memory_space<vmem_shared>> -> memref<10240x128xf32, #tpu.memory_space<vmem_shared>>
      tpu.enqueue_indirect_dma source(%arg7 : memref<125x128xf32, #tpu.memory_space<vmem>>) target(%dma_start3A_37 : memref<10240x128xf32, #tpu.memory_space<vmem_shared>>) offsets(%dma_start3A_34 : memref<125xi32, #tpu.memory_space<vmem>>) semaphore(%arg9 : memref<!tpu.dma_semaphore, #tpu.memory_space<semaphore_mem>>) {add = true}
      %mul3A_38 = arith.constant 8 : i32
      %mul3A_39 = arith.muli %add3A_18, %mul3A_38 : i32
      %add3A_40 = arith.constant 2 : i32
      %add3A_41 = arith.addi %mul3A_39, %add3A_40 : i32
      %dma_start3A_42 = arith.constant 0 : i32
      %dma_start3A_43 = tpu.memref_slice %arg6[%add3A_41, %dma_start3A_42] : memref<80x125xi32, #tpu.memory_space<vmem>> -> memref<1x125xi32, #tpu.memory_space<vmem>>
      %dma_start3A_44 = tpu.memref_squeeze %dma_start3A_43 : memref<1x125xi32, #tpu.memory_space<vmem>> -> memref<125xi32, #tpu.memory_space<vmem>>
      %dma_start3A_45 = arith.constant 0 : i32
      %dma_start3A_46 = arith.constant 0 : i32
      %dma_start3A_47 = tpu.memref_slice %arg8[%dma_start3A_45, %dma_start3A_46] : memref<10240x128xf32, #tpu.memory_space<vmem_shared>> -> memref<10240x128xf32, #tpu.memory_space<vmem_shared>>
      tpu.enqueue_indirect_dma source(%arg7 : memref<125x128xf32, #tpu.memory_space<vmem>>) target(%dma_start3A_47 : memref<10240x128xf32, #tpu.memory_space<vmem_shared>>) offsets(%dma_start3A_44 : memref<125xi32, #tpu.memory_space<vmem>>) semaphore(%arg9 : memref<!tpu.dma_semaphore, #tpu.memory_space<semaphore_mem>>) {add = true}
      %mul3A_48 = arith.constant 8 : i32
      %mul3A_49 = arith.muli %add3A_18, %mul3A_48 : i32
      %add3A_50 = arith.constant 3 : i32
      %add3A_51 = arith.addi %mul3A_49, %add3A_50 : i32
      %dma_start3A_52 = arith.constant 0 : i32
      %dma_start3A_53 = tpu.memref_slice %arg6[%add3A_51, %dma_start3A_52] : memref<80x125xi32, #tpu.memory_space<vmem>> -> memref<1x125xi32, #tpu.memory_space<vmem>>
      %dma_start3A_54 = tpu.memref_squeeze %dma_start3A_53 : memref<1x125xi32, #tpu.memory_space<vmem>> -> memref<125xi32, #tpu.memory_space<vmem>>
      %dma_start3A_55 = arith.constant 0 : i32
      %dma_start3A_56 = arith.constant 0 : i32
      %dma_start3A_57 = tpu.memref_slice %arg8[%dma_start3A_55, %dma_start3A_56] : memref<10240x128xf32, #tpu.memory_space<vmem_shared>> -> memref<10240x128xf32, #tpu.memory_space<vmem_shared>>
      tpu.enqueue_indirect_dma source(%arg7 : memref<125x128xf32, #tpu.memory_space<vmem>>) target(%dma_start3A_57 : memref<10240x128xf32, #tpu.memory_space<vmem_shared>>) offsets(%dma_start3A_54 : memref<125xi32, #tpu.memory_space<vmem>>) semaphore(%arg9 : memref<!tpu.dma_semaphore, #tpu.memory_space<semaphore_mem>>) {add = true}
      %mul3A_58 = arith.constant 8 : i32
      %mul3A_59 = arith.muli %add3A_18, %mul3A_58 : i32
      %add3A_60 = arith.constant 4 : i32
      %add3A_61 = arith.addi %mul3A_59, %add3A_60 : i32
      %dma_start3A_62 = arith.constant 0 : i32
      %dma_start3A_63 = tpu.memref_slice %arg6[%add3A_61, %dma_start3A_62] : memref<80x125xi32, #tpu.memory_space<vmem>> -> memref<1x125xi32, #tpu.memory_space<vmem>>
      %dma_start3A_64 = tpu.memref_squeeze %dma_start3A_63 : memref<1x125xi32, #tpu.memory_space<vmem>> -> memref<125xi32, #tpu.memory_space<vmem>>
      %dma_start3A_65 = arith.constant 0 : i32
      %dma_start3A_66 = arith.constant 0 : i32
      %dma_start3A_67 = tpu.memref_slice %arg8[%dma_start3A_65, %dma_start3A_66] : memref<10240x128xf32, #tpu.memory_space<vmem_shared>> -> memref<10240x128xf32, #tpu.memory_space<vmem_shared>>
      tpu.enqueue_indirect_dma source(%arg7 : memref<125x128xf32, #tpu.memory_space<vmem>>) target(%dma_start3A_67 : memref<10240x128xf32, #tpu.memory_space<vmem_shared>>) offsets(%dma_start3A_64 : memref<125xi32, #tpu.memory_space<vmem>>) semaphore(%arg9 : memref<!tpu.dma_semaphore, #tpu.memory_space<semaphore_mem>>) {add = true}
      %mul3A_68 = arith.constant 8 : i32
      %mul3A_69 = arith.muli %add3A_18, %mul3A_68 : i32
      %add3A_70 = arith.constant 5 : i32
      %add3A_71 = arith.addi %mul3A_69, %add3A_70 : i32
      %dma_start3A_72 = arith.constant 0 : i32
      %dma_start3A_73 = tpu.memref_slice %arg6[%add3A_71, %dma_start3A_72] : memref<80x125xi32, #tpu.memory_space<vmem>> -> memref<1x125xi32, #tpu.memory_space<vmem>>
      %dma_start3A_74 = tpu.memref_squeeze %dma_start3A_73 : memref<1x125xi32, #tpu.memory_space<vmem>> -> memref<125xi32, #tpu.memory_space<vmem>>
      %dma_start3A_75 = arith.constant 0 : i32
      %dma_start3A_76 = arith.constant 0 : i32
      %dma_start3A_77 = tpu.memref_slice %arg8[%dma_start3A_75, %dma_start3A_76] : memref<10240x128xf32, #tpu.memory_space<vmem_shared>> -> memref<10240x128xf32, #tpu.memory_space<vmem_shared>>
      tpu.enqueue_indirect_dma source(%arg7 : memref<125x128xf32, #tpu.memory_space<vmem>>) target(%dma_start3A_77 : memref<10240x128xf32, #tpu.memory_space<vmem_shared>>) offsets(%dma_start3A_74 : memref<125xi32, #tpu.memory_space<vmem>>) semaphore(%arg9 : memref<!tpu.dma_semaphore, #tpu.memory_space<semaphore_mem>>) {add = true}
      %mul3A_78 = arith.constant 8 : i32
      %mul3A_79 = arith.muli %add3A_18, %mul3A_78 : i32
      %add3A_80 = arith.constant 6 : i32
      %add3A_81 = arith.addi %mul3A_79, %add3A_80 : i32
      %dma_start3A_82 = arith.constant 0 : i32
      %dma_start3A_83 = tpu.memref_slice %arg6[%add3A_81, %dma_start3A_82] : memref<80x125xi32, #tpu.memory_space<vmem>> -> memref<1x125xi32, #tpu.memory_space<vmem>>
      %dma_start3A_84 = tpu.memref_squeeze %dma_start3A_83 : memref<1x125xi32, #tpu.memory_space<vmem>> -> memref<125xi32, #tpu.memory_space<vmem>>
      %dma_start3A_85 = arith.constant 0 : i32
      %dma_start3A_86 = arith.constant 0 : i32
      %dma_start3A_87 = tpu.memref_slice %arg8[%dma_start3A_85, %dma_start3A_86] : memref<10240x128xf32, #tpu.memory_space<vmem_shared>> -> memref<10240x128xf32, #tpu.memory_space<vmem_shared>>
      tpu.enqueue_indirect_dma source(%arg7 : memref<125x128xf32, #tpu.memory_space<vmem>>) target(%dma_start3A_87 : memref<10240x128xf32, #tpu.memory_space<vmem_shared>>) offsets(%dma_start3A_84 : memref<125xi32, #tpu.memory_space<vmem>>) semaphore(%arg9 : memref<!tpu.dma_semaphore, #tpu.memory_space<semaphore_mem>>) {add = true}
      %mul3A_88 = arith.constant 8 : i32
      %mul3A_89 = arith.muli %add3A_18, %mul3A_88 : i32
      %add3A_90 = arith.constant 7 : i32
      %add3A_91 = arith.addi %mul3A_89, %add3A_90 : i32
      %dma_start3A_92 = arith.constant 0 : i32
      %dma_start3A_93 = tpu.memref_slice %arg6[%add3A_91, %dma_start3A_92] : memref<80x125xi32, #tpu.memory_space<vmem>> -> memref<1x125xi32, #tpu.memory_space<vmem>>
      %dma_start3A_94 = tpu.memref_squeeze %dma_start3A_93 : memref<1x125xi32, #tpu.memory_space<vmem>> -> memref<125xi32, #tpu.memory_space<vmem>>
      %dma_start3A_95 = arith.constant 0 : i32
      %dma_start3A_96 = arith.constant 0 : i32
      %dma_start3A_97 = tpu.memref_slice %arg8[%dma_start3A_95, %dma_start3A_96] : memref<10240x128xf32, #tpu.memory_space<vmem_shared>> -> memref<10240x128xf32, #tpu.memory_space<vmem_shared>>
      tpu.enqueue_indirect_dma source(%arg7 : memref<125x128xf32, #tpu.memory_space<vmem>>) target(%dma_start3A_97 : memref<10240x128xf32, #tpu.memory_space<vmem_shared>>) offsets(%dma_start3A_94 : memref<125xi32, #tpu.memory_space<vmem>>) semaphore(%arg9 : memref<!tpu.dma_semaphore, #tpu.memory_space<semaphore_mem>>) {add = true}
      %mul3A_98 = arith.constant 8 : i32
      %mul3A_99 = arith.muli %add3A_18, %mul3A_98 : i32
      %add3A_100 = arith.constant 0 : i32
      %add3A_101 = arith.addi %mul3A_99, %add3A_100 : i32
      %dma_wait3A = arith.constant 0 : i32
      %dma_wait3A_102 = tpu.memref_slice %arg6[%add3A_101, %dma_wait3A] : memref<80x125xi32, #tpu.memory_space<vmem>> -> memref<1x125xi32, #tpu.memory_space<vmem>>
      %dma_wait3A_103 = tpu.memref_squeeze %dma_wait3A_102 : memref<1x125xi32, #tpu.memory_space<vmem>> -> memref<125xi32, #tpu.memory_space<vmem>>
      %dma_wait3A_104 = arith.constant 0 : i32
      %dma_wait3A_105 = arith.constant 0 : i32
      %dma_wait3A_106 = tpu.memref_slice %arg8[%dma_wait3A_104, %dma_wait3A_105] : memref<10240x128xf32, #tpu.memory_space<vmem_shared>> -> memref<10240x128xf32, #tpu.memory_space<vmem_shared>>
      tpu.wait_indirect_dma semaphore(%arg9 : memref<!tpu.dma_semaphore, #tpu.memory_space<semaphore_mem>>) src(%arg7 : memref<125x128xf32, #tpu.memory_space<vmem>>) dst(%dma_wait3A_106 : memref<10240x128xf32, #tpu.memory_space<vmem_shared>>)
      %mul3A_107 = arith.constant 8 : i32
      %mul3A_108 = arith.muli %add3A_18, %mul3A_107 : i32
      %add3A_109 = arith.constant 1 : i32
      %add3A_110 = arith.addi %mul3A_108, %add3A_109 : i32
      %dma_wait3A_111 = arith.constant 0 : i32
      %dma_wait3A_112 = tpu.memref_slice %arg6[%add3A_110, %dma_wait3A_111] : memref<80x125xi32, #tpu.memory_space<vmem>> -> memref<1x125xi32, #tpu.memory_space<vmem>>
      %dma_wait3A_113 = tpu.memref_squeeze %dma_wait3A_112 : memref<1x125xi32, #tpu.memory_space<vmem>> -> memref<125xi32, #tpu.memory_space<vmem>>
      %dma_wait3A_114 = arith.constant 0 : i32
      %dma_wait3A_115 = arith.constant 0 : i32
      %dma_wait3A_116 = tpu.memref_slice %arg8[%dma_wait3A_114, %dma_wait3A_115] : memref<10240x128xf32, #tpu.memory_space<vmem_shared>> -> memref<10240x128xf32, #tpu.memory_space<vmem_shared>>
      tpu.wait_indirect_dma semaphore(%arg9 : memref<!tpu.dma_semaphore, #tpu.memory_space<semaphore_mem>>) src(%arg7 : memref<125x128xf32, #tpu.memory_space<vmem>>) dst(%dma_wait3A_116 : memref<10240x128xf32, #tpu.memory_space<vmem_shared>>)
      %mul3A_117 = arith.constant 8 : i32
      %mul3A_118 = arith.muli %add3A_18, %mul3A_117 : i32
      %add3A_119 = arith.constant 2 : i32
      %add3A_120 = arith.addi %mul3A_118, %add3A_119 : i32
      %dma_wait3A_121 = arith.constant 0 : i32
      %dma_wait3A_122 = tpu.memref_slice %arg6[%add3A_120, %dma_wait3A_121] : memref<80x125xi32, #tpu.memory_space<vmem>> -> memref<1x125xi32, #tpu.memory_space<vmem>>
      %dma_wait3A_123 = tpu.memref_squeeze %dma_wait3A_122 : memref<1x125xi32, #tpu.memory_space<vmem>> -> memref<125xi32, #tpu.memory_space<vmem>>
      %dma_wait3A_124 = arith.constant 0 : i32
      %dma_wait3A_125 = arith.constant 0 : i32
      %dma_wait3A_126 = tpu.memref_slice %arg8[%dma_wait3A_124, %dma_wait3A_125] : memref<10240x128xf32, #tpu.memory_space<vmem_shared>> -> memref<10240x128xf32, #tpu.memory_space<vmem_shared>>
      tpu.wait_indirect_dma semaphore(%arg9 : memref<!tpu.dma_semaphore, #tpu.memory_space<semaphore_mem>>) src(%arg7 : memref<125x128xf32, #tpu.memory_space<vmem>>) dst(%dma_wait3A_126 : memref<10240x128xf32, #tpu.memory_space<vmem_shared>>)
      %mul3A_127 = arith.constant 8 : i32
      %mul3A_128 = arith.muli %add3A_18, %mul3A_127 : i32
      %add3A_129 = arith.constant 3 : i32
      %add3A_130 = arith.addi %mul3A_128, %add3A_129 : i32
      %dma_wait3A_131 = arith.constant 0 : i32
      %dma_wait3A_132 = tpu.memref_slice %arg6[%add3A_130, %dma_wait3A_131] : memref<80x125xi32, #tpu.memory_space<vmem>> -> memref<1x125xi32, #tpu.memory_space<vmem>>
      %dma_wait3A_133 = tpu.memref_squeeze %dma_wait3A_132 : memref<1x125xi32, #tpu.memory_space<vmem>> -> memref<125xi32, #tpu.memory_space<vmem>>
      %dma_wait3A_134 = arith.constant 0 : i32
      %dma_wait3A_135 = arith.constant 0 : i32
      %dma_wait3A_136 = tpu.memref_slice %arg8[%dma_wait3A_134, %dma_wait3A_135] : memref<10240x128xf32, #tpu.memory_space<vmem_shared>> -> memref<10240x128xf32, #tpu.memory_space<vmem_shared>>
      tpu.wait_indirect_dma semaphore(%arg9 : memref<!tpu.dma_semaphore, #tpu.memory_space<semaphore_mem>>) src(%arg7 : memref<125x128xf32, #tpu.memory_space<vmem>>) dst(%dma_wait3A_136 : memref<10240x128xf32, #tpu.memory_space<vmem_shared>>)
      %mul3A_137 = arith.constant 8 : i32
      %mul3A_138 = arith.muli %add3A_18, %mul3A_137 : i32
      %add3A_139 = arith.constant 4 : i32
      %add3A_140 = arith.addi %mul3A_138, %add3A_139 : i32
      %dma_wait3A_141 = arith.constant 0 : i32
      %dma_wait3A_142 = tpu.memref_slice %arg6[%add3A_140, %dma_wait3A_141] : memref<80x125xi32, #tpu.memory_space<vmem>> -> memref<1x125xi32, #tpu.memory_space<vmem>>
      %dma_wait3A_143 = tpu.memref_squeeze %dma_wait3A_142 : memref<1x125xi32, #tpu.memory_space<vmem>> -> memref<125xi32, #tpu.memory_space<vmem>>
      %dma_wait3A_144 = arith.constant 0 : i32
      %dma_wait3A_145 = arith.constant 0 : i32
      %dma_wait3A_146 = tpu.memref_slice %arg8[%dma_wait3A_144, %dma_wait3A_145] : memref<10240x128xf32, #tpu.memory_space<vmem_shared>> -> memref<10240x128xf32, #tpu.memory_space<vmem_shared>>
      tpu.wait_indirect_dma semaphore(%arg9 : memref<!tpu.dma_semaphore, #tpu.memory_space<semaphore_mem>>) src(%arg7 : memref<125x128xf32, #tpu.memory_space<vmem>>) dst(%dma_wait3A_146 : memref<10240x128xf32, #tpu.memory_space<vmem_shared>>)
      %mul3A_147 = arith.constant 8 : i32
      %mul3A_148 = arith.muli %add3A_18, %mul3A_147 : i32
      %add3A_149 = arith.constant 5 : i32
      %add3A_150 = arith.addi %mul3A_148, %add3A_149 : i32
      %dma_wait3A_151 = arith.constant 0 : i32
      %dma_wait3A_152 = tpu.memref_slice %arg6[%add3A_150, %dma_wait3A_151] : memref<80x125xi32, #tpu.memory_space<vmem>> -> memref<1x125xi32, #tpu.memory_space<vmem>>
      %dma_wait3A_153 = tpu.memref_squeeze %dma_wait3A_152 : memref<1x125xi32, #tpu.memory_space<vmem>> -> memref<125xi32, #tpu.memory_space<vmem>>
      %dma_wait3A_154 = arith.constant 0 : i32
      %dma_wait3A_155 = arith.constant 0 : i32
      %dma_wait3A_156 = tpu.memref_slice %arg8[%dma_wait3A_154, %dma_wait3A_155] : memref<10240x128xf32, #tpu.memory_space<vmem_shared>> -> memref<10240x128xf32, #tpu.memory_space<vmem_shared>>
      tpu.wait_indirect_dma semaphore(%arg9 : memref<!tpu.dma_semaphore, #tpu.memory_space<semaphore_mem>>) src(%arg7 : memref<125x128xf32, #tpu.memory_space<vmem>>) dst(%dma_wait3A_156 : memref<10240x128xf32, #tpu.memory_space<vmem_shared>>)
      %mul3A_157 = arith.constant 8 : i32
      %mul3A_158 = arith.muli %add3A_18, %mul3A_157 : i32
      %add3A_159 = arith.constant 6 : i32
      %add3A_160 = arith.addi %mul3A_158, %add3A_159 : i32
      %dma_wait3A_161 = arith.constant 0 : i32
      %dma_wait3A_162 = tpu.memref_slice %arg6[%add3A_160, %dma_wait3A_161] : memref<80x125xi32, #tpu.memory_space<vmem>> -> memref<1x125xi32, #tpu.memory_space<vmem>>
      %dma_wait3A_163 = tpu.memref_squeeze %dma_wait3A_162 : memref<1x125xi32, #tpu.memory_space<vmem>> -> memref<125xi32, #tpu.memory_space<vmem>>
      %dma_wait3A_164 = arith.constant 0 : i32
      %dma_wait3A_165 = arith.constant 0 : i32
      %dma_wait3A_166 = tpu.memref_slice %arg8[%dma_wait3A_164, %dma_wait3A_165] : memref<10240x128xf32, #tpu.memory_space<vmem_shared>> -> memref<10240x128xf32, #tpu.memory_space<vmem_shared>>
      tpu.wait_indirect_dma semaphore(%arg9 : memref<!tpu.dma_semaphore, #tpu.memory_space<semaphore_mem>>) src(%arg7 : memref<125x128xf32, #tpu.memory_space<vmem>>) dst(%dma_wait3A_166 : memref<10240x128xf32, #tpu.memory_space<vmem_shared>>)
      %mul3A_167 = arith.constant 8 : i32
      %mul3A_168 = arith.muli %add3A_18, %mul3A_167 : i32
      %add3A_169 = arith.constant 7 : i32
      %add3A_170 = arith.addi %mul3A_168, %add3A_169 : i32
      %dma_wait3A_171 = arith.constant 0 : i32
      %dma_wait3A_172 = tpu.memref_slice %arg6[%add3A_170, %dma_wait3A_171] : memref<80x125xi32, #tpu.memory_space<vmem>> -> memref<1x125xi32, #tpu.memory_space<vmem>>
      %dma_wait3A_173 = tpu.memref_squeeze %dma_wait3A_172 : memref<1x125xi32, #tpu.memory_space<vmem>> -> memref<125xi32, #tpu.memory_space<vmem>>
      %dma_wait3A_174 = arith.constant 0 : i32
      %dma_wait3A_175 = arith.constant 0 : i32
      %dma_wait3A_176 = tpu.memref_slice %arg8[%dma_wait3A_174, %dma_wait3A_175] : memref<10240x128xf32, #tpu.memory_space<vmem_shared>> -> memref<10240x128xf32, #tpu.memory_space<vmem_shared>>
      tpu.wait_indirect_dma semaphore(%arg9 : memref<!tpu.dma_semaphore, #tpu.memory_space<semaphore_mem>>) src(%arg7 : memref<125x128xf32, #tpu.memory_space<vmem>>) dst(%dma_wait3A_176 : memref<10240x128xf32, #tpu.memory_space<vmem_shared>>)
    }
    %scan3A_8 = arith.constant 10 : i32
    %barrier3A_9 = arith.constant 0 : index
    tpu.barrier barrier_id(%barrier3A_9)
    %mul3A_10 = arith.constant 640 : i32
    %mul3A_11 = arith.muli %arg1, %mul3A_10 : i32
    %mul3A_12 = arith.constant 640 : i32
    %mul3A_13 = arith.muli %arg1, %mul3A_12 : i32
    "tpu.region"() ({
      %run_scoped3A = tpu.sem_alloc : memref<!tpu.dma_semaphore, #tpu.memory_space<semaphore_mem>>
      %dma_start3A = arith.constant 0 : i32
      %dma_start3A_14 = tpu.memref_slice %arg5[%arg0, %mul3A_13, %dma_start3A] : memref<2x10240x128xf32, #tpu.memory_space<hbm>> -> memref<1x640x128xf32, #tpu.memory_space<hbm>>
      %dma_start3A_15 = tpu.memref_squeeze %dma_start3A_14 : memref<1x640x128xf32, #tpu.memory_space<hbm>> -> memref<640x128xf32, #tpu.memory_space<hbm>>
      %dma_start3A_16 = arith.constant 0 : i32
      %dma_start3A_17 = tpu.memref_slice %arg8[%mul3A_11, %dma_start3A_16] : memref<10240x128xf32, #tpu.memory_space<vmem_shared>> -> memref<640x128xf32, #tpu.memory_space<vmem_shared>>
      tpu.enqueue_dma source(%dma_start3A_17 : memref<640x128xf32, #tpu.memory_space<vmem_shared>>) target(%dma_start3A_15 : memref<640x128xf32, #tpu.memory_space<hbm>>) target_semaphore(%run_scoped3A : memref<!tpu.dma_semaphore, #tpu.memory_space<semaphore_mem>>)
      %dma_wait3A = arith.constant 0 : i32
      %dma_wait3A_18 = tpu.memref_slice %arg5[%arg0, %mul3A_13, %dma_wait3A] : memref<2x10240x128xf32, #tpu.memory_space<hbm>> -> memref<1x640x128xf32, #tpu.memory_space<hbm>>
      %dma_wait3A_19 = tpu.memref_squeeze %dma_wait3A_18 : memref<1x640x128xf32, #tpu.memory_space<hbm>> -> memref<640x128xf32, #tpu.memory_space<hbm>>
      %dma_wait3A_20 = arith.constant 0 : i32
      %dma_wait3A_21 = tpu.memref_slice %arg8[%mul3A_11, %dma_wait3A_20] : memref<10240x128xf32, #tpu.memory_space<vmem_shared>> -> memref<640x128xf32, #tpu.memory_space<vmem_shared>>
      tpu.wait_dma2 semaphore(%run_scoped3A : memref<!tpu.dma_semaphore, #tpu.memory_space<semaphore_mem>>) src(%dma_wait3A_21 : memref<640x128xf32, #tpu.memory_space<vmem_shared>>) dst(%dma_wait3A_19 : memref<640x128xf32, #tpu.memory_space<hbm>>)
      tpu.yield
    }) : () -> ()
    return
  }
}

#map = affine_map<(d0, d1) -> (0, 0)>
#map1 = affine_map<(d0, d1) -> (0, 0, 0)>
module attributes {stable_mosaic.version = 14 : i64} {
  func.func @k(%arg0: i32, %arg1: i32, %arg2: memref<2560x125xi32, #tpu.memory_space<hbm>>, %arg3: memref<2560x125xi32, #tpu.memory_space<hbm>>, %arg4: memref<10000x128xf32, #tpu.memory_space<hbm>>, %arg5: memref<640x128xf32, #tpu.memory_space<hbm>>, %arg6: memref<2x10240x128xf32, #tpu.memory_space<hbm>>, %arg7: memref<40x125xi32, #tpu.memory_space<vmem>>, %arg8: memref<40x125xi32, #tpu.memory_space<vmem>>, %arg9: memref<125x128xf32, #tpu.memory_space<vmem>>, %arg10: memref<125x128xf32, #tpu.memory_space<vmem>>, %arg11: memref<10240x128xf32, #tpu.memory_space<vmem_shared>>, %arg12: memref<!tpu.dma_semaphore, #tpu.memory_space<semaphore_mem>>, %arg13: memref<!tpu.dma_semaphore, #tpu.memory_space<semaphore_mem>>) attributes {dimension_semantics = [#tpu.dimension_semantics<core_parallel>, #tpu.dimension_semantics<subcore_parallel>], iteration_bounds = array<i64: 2, 16>, scalar_prefetch = 0 : i64, scratch_operands = 7 : i64, tpu.core_type = #tpu.core_type<sc_vector_subcore>, window_params = [{transform_indices = #map}, {transform_indices = #map}, {transform_indices = #map}, {transform_indices = #map}, {transform_indices = #map1}]} {
    %mul3A = arith.constant 16 : i32
    %mul3A_0 = arith.muli %arg0, %mul3A : i32
    %add3A = arith.addi %mul3A_0, %arg1 : i32
    %mul3A_1 = arith.constant 640 : i32
    %mul3A_2 = arith.muli %arg1, %mul3A_1 : i32
    "tpu.region"() ({
      %run_scoped3A = tpu.sem_alloc : memref<!tpu.dma_semaphore, #tpu.memory_space<semaphore_mem>>
      %dma_start3A = arith.constant 0 : i32
      %dma_start3A_12 = tpu.memref_slice %arg11[%mul3A_2, %dma_start3A] : memref<10240x128xf32, #tpu.memory_space<vmem_shared>> -> memref<640x128xf32, #tpu.memory_space<vmem_shared>>
      tpu.enqueue_dma source(%arg5 : memref<640x128xf32, #tpu.memory_space<hbm>>) target(%dma_start3A_12 : memref<640x128xf32, #tpu.memory_space<vmem_shared>>) target_semaphore(%run_scoped3A : memref<!tpu.dma_semaphore, #tpu.memory_space<semaphore_mem>>)
      %dma_wait3A = arith.constant 0 : i32
      %dma_wait3A_13 = tpu.memref_slice %arg11[%mul3A_2, %dma_wait3A] : memref<10240x128xf32, #tpu.memory_space<vmem_shared>> -> memref<640x128xf32, #tpu.memory_space<vmem_shared>>
      tpu.wait_dma2 semaphore(%run_scoped3A : memref<!tpu.dma_semaphore, #tpu.memory_space<semaphore_mem>>) src(%arg5 : memref<640x128xf32, #tpu.memory_space<hbm>>) dst(%dma_wait3A_13 : memref<640x128xf32, #tpu.memory_space<vmem_shared>>)
      tpu.yield
    }) : () -> ()
    %barrier3A = arith.constant 0 : index
    tpu.barrier barrier_id(%barrier3A)
    %scan3A = arith.constant 0 : i32
    %scan3A_3 = arith.constant 2 : i32
    %scan3A_4 = arith.addi %scan3A, %scan3A_3 : i32
    %scan3A_5 = arith.constant 1 : i32
    scf.for %scan3A_12 = %scan3A to %scan3A_4 step %scan3A_5  : i32 {
      %mul3A_13 = arith.constant 1 : i32
      %mul3A_14 = arith.muli %scan3A_12, %mul3A_13 : i32
      %add3A_15 = arith.constant 0 : i32
      %add3A_16 = arith.addi %add3A_15, %mul3A_14 : i32
      %mul3A_17 = arith.constant 80 : i32
      %mul3A_18 = arith.muli %add3A, %mul3A_17 : i32
      %mul3A_19 = arith.constant 40 : i32
      %mul3A_20 = arith.muli %add3A_16, %mul3A_19 : i32
      %add3A_21 = arith.addi %mul3A_18, %mul3A_20 : i32
      "tpu.region"() ({
        %run_scoped3A = tpu.sem_alloc : memref<!tpu.dma_semaphore, #tpu.memory_space<semaphore_mem>>
        %dma_start3A_33 = arith.constant 0 : i32
        %dma_start3A_34 = tpu.memref_slice %arg2[%add3A_21, %dma_start3A_33] : memref<2560x125xi32, #tpu.memory_space<hbm>> -> memref<40x125xi32, #tpu.memory_space<hbm>>
        %dma_start3A_35 = arith.constant 0 : i32
        %dma_start3A_36 = tpu.memref_slice %arg2[%add3A_21, %dma_start3A_35] : memref<2560x125xi32, #tpu.memory_space<hbm>> -> memref<40x125xi32, #tpu.memory_space<hbm>>
        tpu.enqueue_dma source(%dma_start3A_36 : memref<40x125xi32, #tpu.memory_space<hbm>>) target(%arg7 : memref<40x125xi32, #tpu.memory_space<vmem>>) target_semaphore(%run_scoped3A : memref<!tpu.dma_semaphore, #tpu.memory_space<semaphore_mem>>)
        %dma_wait3A = arith.constant 0 : i32
        %dma_wait3A_37 = tpu.memref_slice %arg2[%add3A_21, %dma_wait3A] : memref<2560x125xi32, #tpu.memory_space<hbm>> -> memref<40x125xi32, #tpu.memory_space<hbm>>
        %dma_wait3A_38 = arith.constant 0 : i32
        %dma_wait3A_39 = tpu.memref_slice %arg2[%add3A_21, %dma_wait3A_38] : memref<2560x125xi32, #tpu.memory_space<hbm>> -> memref<40x125xi32, #tpu.memory_space<hbm>>
        tpu.wait_dma2 semaphore(%run_scoped3A : memref<!tpu.dma_semaphore, #tpu.memory_space<semaphore_mem>>) src(%dma_wait3A_39 : memref<40x125xi32, #tpu.memory_space<hbm>>) dst(%arg7 : memref<40x125xi32, #tpu.memory_space<vmem>>)
        tpu.yield
      }) : () -> ()
      "tpu.region"() ({
        %run_scoped3A = tpu.sem_alloc : memref<!tpu.dma_semaphore, #tpu.memory_space<semaphore_mem>>
        %dma_start3A_33 = arith.constant 0 : i32
        %dma_start3A_34 = tpu.memref_slice %arg3[%add3A_21, %dma_start3A_33] : memref<2560x125xi32, #tpu.memory_space<hbm>> -> memref<40x125xi32, #tpu.memory_space<hbm>>
        %dma_start3A_35 = arith.constant 0 : i32
        %dma_start3A_36 = tpu.memref_slice %arg3[%add3A_21, %dma_start3A_35] : memref<2560x125xi32, #tpu.memory_space<hbm>> -> memref<40x125xi32, #tpu.memory_space<hbm>>
        tpu.enqueue_dma source(%dma_start3A_36 : memref<40x125xi32, #tpu.memory_space<hbm>>) target(%arg8 : memref<40x125xi32, #tpu.memory_space<vmem>>) target_semaphore(%run_scoped3A : memref<!tpu.dma_semaphore, #tpu.memory_space<semaphore_mem>>)
        %dma_wait3A = arith.constant 0 : i32
        %dma_wait3A_37 = tpu.memref_slice %arg3[%add3A_21, %dma_wait3A] : memref<2560x125xi32, #tpu.memory_space<hbm>> -> memref<40x125xi32, #tpu.memory_space<hbm>>
        %dma_wait3A_38 = arith.constant 0 : i32
        %dma_wait3A_39 = tpu.memref_slice %arg3[%add3A_21, %dma_wait3A_38] : memref<2560x125xi32, #tpu.memory_space<hbm>> -> memref<40x125xi32, #tpu.memory_space<hbm>>
        tpu.wait_dma2 semaphore(%run_scoped3A : memref<!tpu.dma_semaphore, #tpu.memory_space<semaphore_mem>>) src(%dma_wait3A_39 : memref<40x125xi32, #tpu.memory_space<hbm>>) dst(%arg8 : memref<40x125xi32, #tpu.memory_space<vmem>>)
        tpu.yield
      }) : () -> ()
      %dma_start3A = arith.constant 0 : i32
      %dma_start3A_22 = arith.constant 0 : i32
      %dma_start3A_23 = tpu.memref_slice %arg7[%dma_start3A, %dma_start3A_22] : memref<40x125xi32, #tpu.memory_space<vmem>> -> memref<1x125xi32, #tpu.memory_space<vmem>>
      %dma_start3A_24 = tpu.memref_squeeze %dma_start3A_23 : memref<1x125xi32, #tpu.memory_space<vmem>> -> memref<125xi32, #tpu.memory_space<vmem>>
      %dma_start3A_25 = arith.constant 0 : i32
      %dma_start3A_26 = arith.constant 0 : i32
      %dma_start3A_27 = tpu.memref_slice %arg4[%dma_start3A_25, %dma_start3A_26] : memref<10000x128xf32, #tpu.memory_space<hbm>> -> memref<10000x128xf32, #tpu.memory_space<hbm>>
      tpu.enqueue_indirect_dma source(%dma_start3A_27 : memref<10000x128xf32, #tpu.memory_space<hbm>>) target(%arg9 : memref<125x128xf32, #tpu.memory_space<vmem>>) offsets(%dma_start3A_24 : memref<125xi32, #tpu.memory_space<vmem>>) semaphore(%arg12 : memref<!tpu.dma_semaphore, #tpu.memory_space<semaphore_mem>>)
      %scan3A_28 = arith.constant 0 : i32
      %scan3A_29 = arith.constant 20 : i32
      %scan3A_30 = arith.addi %scan3A_28, %scan3A_29 : i32
      %scan3A_31 = arith.constant 1 : i32
      scf.for %scan3A_33 = %scan3A_28 to %scan3A_30 step %scan3A_31  : i32 {
        %mul3A_34 = arith.constant 1 : i32
        %mul3A_35 = arith.muli %scan3A_33, %mul3A_34 : i32
        %add3A_36 = arith.constant 0 : i32
        %add3A_37 = arith.addi %add3A_36, %mul3A_35 : i32
        %mul3A_38 = arith.constant 2 : i32
        %mul3A_39 = arith.muli %mul3A_38, %add3A_37 : i32
        %dma_wait3A = arith.constant 0 : i32
        %dma_wait3A_40 = tpu.memref_slice %arg7[%mul3A_39, %dma_wait3A] : memref<40x125xi32, #tpu.memory_space<vmem>> -> memref<1x125xi32, #tpu.memory_space<vmem>>
        %dma_wait3A_41 = tpu.memref_squeeze %dma_wait3A_40 : memref<1x125xi32, #tpu.memory_space<vmem>> -> memref<125xi32, #tpu.memory_space<vmem>>
        %dma_wait3A_42 = arith.constant 0 : i32
        %dma_wait3A_43 = arith.constant 0 : i32
        %dma_wait3A_44 = tpu.memref_slice %arg4[%dma_wait3A_42, %dma_wait3A_43] : memref<10000x128xf32, #tpu.memory_space<hbm>> -> memref<10000x128xf32, #tpu.memory_space<hbm>>
        tpu.wait_indirect_dma semaphore(%arg12 : memref<!tpu.dma_semaphore, #tpu.memory_space<semaphore_mem>>) src(%dma_wait3A_44 : memref<10000x128xf32, #tpu.memory_space<hbm>>) dst(%arg9 : memref<125x128xf32, #tpu.memory_space<vmem>>)
        %add3A_45 = arith.constant 1 : i32
        %add3A_46 = arith.addi %mul3A_39, %add3A_45 : i32
        %dma_start3A_47 = arith.constant 0 : i32
        %dma_start3A_48 = tpu.memref_slice %arg7[%add3A_46, %dma_start3A_47] : memref<40x125xi32, #tpu.memory_space<vmem>> -> memref<1x125xi32, #tpu.memory_space<vmem>>
        %dma_start3A_49 = tpu.memref_squeeze %dma_start3A_48 : memref<1x125xi32, #tpu.memory_space<vmem>> -> memref<125xi32, #tpu.memory_space<vmem>>
        %dma_start3A_50 = arith.constant 0 : i32
        %dma_start3A_51 = arith.constant 0 : i32
        %dma_start3A_52 = tpu.memref_slice %arg4[%dma_start3A_50, %dma_start3A_51] : memref<10000x128xf32, #tpu.memory_space<hbm>> -> memref<10000x128xf32, #tpu.memory_space<hbm>>
        tpu.enqueue_indirect_dma source(%dma_start3A_52 : memref<10000x128xf32, #tpu.memory_space<hbm>>) target(%arg10 : memref<125x128xf32, #tpu.memory_space<vmem>>) offsets(%dma_start3A_49 : memref<125xi32, #tpu.memory_space<vmem>>) semaphore(%arg13 : memref<!tpu.dma_semaphore, #tpu.memory_space<semaphore_mem>>)
        "tpu.region"() ({
          %run_scoped3A = tpu.sem_alloc : memref<!tpu.dma_semaphore, #tpu.memory_space<semaphore_mem>>
          %dma_start3A_65 = arith.constant 0 : i32
          %dma_start3A_66 = tpu.memref_slice %arg8[%mul3A_39, %dma_start3A_65] : memref<40x125xi32, #tpu.memory_space<vmem>> -> memref<1x125xi32, #tpu.memory_space<vmem>>
          %dma_start3A_67 = tpu.memref_squeeze %dma_start3A_66 : memref<1x125xi32, #tpu.memory_space<vmem>> -> memref<125xi32, #tpu.memory_space<vmem>>
          %dma_start3A_68 = arith.constant 0 : i32
          %dma_start3A_69 = arith.constant 0 : i32
          %dma_start3A_70 = tpu.memref_slice %arg11[%dma_start3A_68, %dma_start3A_69] : memref<10240x128xf32, #tpu.memory_space<vmem_shared>> -> memref<10240x128xf32, #tpu.memory_space<vmem_shared>>
          tpu.enqueue_indirect_dma source(%arg9 : memref<125x128xf32, #tpu.memory_space<vmem>>) target(%dma_start3A_70 : memref<10240x128xf32, #tpu.memory_space<vmem_shared>>) offsets(%dma_start3A_67 : memref<125xi32, #tpu.memory_space<vmem>>) semaphore(%run_scoped3A : memref<!tpu.dma_semaphore, #tpu.memory_space<semaphore_mem>>) {add = true}
          %dma_wait3A_71 = arith.constant 0 : i32
          %dma_wait3A_72 = tpu.memref_slice %arg8[%mul3A_39, %dma_wait3A_71] : memref<40x125xi32, #tpu.memory_space<vmem>> -> memref<1x125xi32, #tpu.memory_space<vmem>>
          %dma_wait3A_73 = tpu.memref_squeeze %dma_wait3A_72 : memref<1x125xi32, #tpu.memory_space<vmem>> -> memref<125xi32, #tpu.memory_space<vmem>>
          %dma_wait3A_74 = arith.constant 0 : i32
          %dma_wait3A_75 = arith.constant 0 : i32
          %dma_wait3A_76 = tpu.memref_slice %arg11[%dma_wait3A_74, %dma_wait3A_75] : memref<10240x128xf32, #tpu.memory_space<vmem_shared>> -> memref<10240x128xf32, #tpu.memory_space<vmem_shared>>
          tpu.wait_indirect_dma semaphore(%run_scoped3A : memref<!tpu.dma_semaphore, #tpu.memory_space<semaphore_mem>>) src(%arg9 : memref<125x128xf32, #tpu.memory_space<vmem>>) dst(%dma_wait3A_76 : memref<10240x128xf32, #tpu.memory_space<vmem_shared>>)
          tpu.yield
        }) : () -> ()
        %add3A_53 = arith.constant 1 : i32
        %add3A_54 = arith.addi %mul3A_39, %add3A_53 : i32
        %dma_wait3A_55 = arith.constant 0 : i32
        %dma_wait3A_56 = tpu.memref_slice %arg7[%add3A_54, %dma_wait3A_55] : memref<40x125xi32, #tpu.memory_space<vmem>> -> memref<1x125xi32, #tpu.memory_space<vmem>>
        %dma_wait3A_57 = tpu.memref_squeeze %dma_wait3A_56 : memref<1x125xi32, #tpu.memory_space<vmem>> -> memref<125xi32, #tpu.memory_space<vmem>>
        %dma_wait3A_58 = arith.constant 0 : i32
        %dma_wait3A_59 = arith.constant 0 : i32
        %dma_wait3A_60 = tpu.memref_slice %arg4[%dma_wait3A_58, %dma_wait3A_59] : memref<10000x128xf32, #tpu.memory_space<hbm>> -> memref<10000x128xf32, #tpu.memory_space<hbm>>
        tpu.wait_indirect_dma semaphore(%arg13 : memref<!tpu.dma_semaphore, #tpu.memory_space<semaphore_mem>>) src(%dma_wait3A_60 : memref<10000x128xf32, #tpu.memory_space<hbm>>) dst(%arg10 : memref<125x128xf32, #tpu.memory_space<vmem>>)
        %lt3A = arith.constant 19 : i32
        %lt3A_61 = arith.cmpi slt, %add3A_37, %lt3A : i32
        %convert_element_type3A = arith.extui %lt3A_61 : i1 to i32
        %cond3A = arith.constant 0 : i32
        %cond3A_62 = arith.cmpi ne, %convert_element_type3A, %cond3A : i32
        scf.if %cond3A_62 {
          %add3A_65 = arith.constant 2 : i32
          %add3A_66 = arith.addi %mul3A_39, %add3A_65 : i32
          %dma_start3A_67 = arith.constant 0 : i32
          %dma_start3A_68 = tpu.memref_slice %arg7[%add3A_66, %dma_start3A_67] : memref<40x125xi32, #tpu.memory_space<vmem>> -> memref<1x125xi32, #tpu.memory_space<vmem>>
          %dma_start3A_69 = tpu.memref_squeeze %dma_start3A_68 : memref<1x125xi32, #tpu.memory_space<vmem>> -> memref<125xi32, #tpu.memory_space<vmem>>
          %dma_start3A_70 = arith.constant 0 : i32
          %dma_start3A_71 = arith.constant 0 : i32
          %dma_start3A_72 = tpu.memref_slice %arg4[%dma_start3A_70, %dma_start3A_71] : memref<10000x128xf32, #tpu.memory_space<hbm>> -> memref<10000x128xf32, #tpu.memory_space<hbm>>
          tpu.enqueue_indirect_dma source(%dma_start3A_72 : memref<10000x128xf32, #tpu.memory_space<hbm>>) target(%arg9 : memref<125x128xf32, #tpu.memory_space<vmem>>) offsets(%dma_start3A_69 : memref<125xi32, #tpu.memory_space<vmem>>) semaphore(%arg12 : memref<!tpu.dma_semaphore, #tpu.memory_space<semaphore_mem>>)
        } else {
        }
        %add3A_63 = arith.constant 1 : i32
        %add3A_64 = arith.addi %mul3A_39, %add3A_63 : i32
        "tpu.region"() ({
          %run_scoped3A = tpu.sem_alloc : memref<!tpu.dma_semaphore, #tpu.memory_space<semaphore_mem>>
          %dma_start3A_65 = arith.constant 0 : i32
          %dma_start3A_66 = tpu.memref_slice %arg8[%add3A_64, %dma_start3A_65] : memref<40x125xi32, #tpu.memory_space<vmem>> -> memref<1x125xi32, #tpu.memory_space<vmem>>
          %dma_start3A_67 = tpu.memref_squeeze %dma_start3A_66 : memref<1x125xi32, #tpu.memory_space<vmem>> -> memref<125xi32, #tpu.memory_space<vmem>>
          %dma_start3A_68 = arith.constant 0 : i32
          %dma_start3A_69 = arith.constant 0 : i32
          %dma_start3A_70 = tpu.memref_slice %arg11[%dma_start3A_68, %dma_start3A_69] : memref<10240x128xf32, #tpu.memory_space<vmem_shared>> -> memref<10240x128xf32, #tpu.memory_space<vmem_shared>>
          tpu.enqueue_indirect_dma source(%arg10 : memref<125x128xf32, #tpu.memory_space<vmem>>) target(%dma_start3A_70 : memref<10240x128xf32, #tpu.memory_space<vmem_shared>>) offsets(%dma_start3A_67 : memref<125xi32, #tpu.memory_space<vmem>>) semaphore(%run_scoped3A : memref<!tpu.dma_semaphore, #tpu.memory_space<semaphore_mem>>) {add = true}
          %dma_wait3A_71 = arith.constant 0 : i32
          %dma_wait3A_72 = tpu.memref_slice %arg8[%add3A_64, %dma_wait3A_71] : memref<40x125xi32, #tpu.memory_space<vmem>> -> memref<1x125xi32, #tpu.memory_space<vmem>>
          %dma_wait3A_73 = tpu.memref_squeeze %dma_wait3A_72 : memref<1x125xi32, #tpu.memory_space<vmem>> -> memref<125xi32, #tpu.memory_space<vmem>>
          %dma_wait3A_74 = arith.constant 0 : i32
          %dma_wait3A_75 = arith.constant 0 : i32
          %dma_wait3A_76 = tpu.memref_slice %arg11[%dma_wait3A_74, %dma_wait3A_75] : memref<10240x128xf32, #tpu.memory_space<vmem_shared>> -> memref<10240x128xf32, #tpu.memory_space<vmem_shared>>
          tpu.wait_indirect_dma semaphore(%run_scoped3A : memref<!tpu.dma_semaphore, #tpu.memory_space<semaphore_mem>>) src(%arg10 : memref<125x128xf32, #tpu.memory_space<vmem>>) dst(%dma_wait3A_76 : memref<10240x128xf32, #tpu.memory_space<vmem_shared>>)
          tpu.yield
        }) : () -> ()
      }
      %scan3A_32 = arith.constant 20 : i32
    }
    %scan3A_6 = arith.constant 2 : i32
    %barrier3A_7 = arith.constant 0 : index
    tpu.barrier barrier_id(%barrier3A_7)
    %mul3A_8 = arith.constant 640 : i32
    %mul3A_9 = arith.muli %arg1, %mul3A_8 : i32
    %mul3A_10 = arith.constant 640 : i32
    %mul3A_11 = arith.muli %arg1, %mul3A_10 : i32
    "tpu.region"() ({
      %run_scoped3A = tpu.sem_alloc : memref<!tpu.dma_semaphore, #tpu.memory_space<semaphore_mem>>
      %dma_start3A = arith.constant 0 : i32
      %dma_start3A_12 = tpu.memref_slice %arg6[%arg0, %mul3A_11, %dma_start3A] : memref<2x10240x128xf32, #tpu.memory_space<hbm>> -> memref<1x640x128xf32, #tpu.memory_space<hbm>>
      %dma_start3A_13 = tpu.memref_squeeze %dma_start3A_12 : memref<1x640x128xf32, #tpu.memory_space<hbm>> -> memref<640x128xf32, #tpu.memory_space<hbm>>
      %dma_start3A_14 = arith.constant 0 : i32
      %dma_start3A_15 = tpu.memref_slice %arg11[%mul3A_9, %dma_start3A_14] : memref<10240x128xf32, #tpu.memory_space<vmem_shared>> -> memref<640x128xf32, #tpu.memory_space<vmem_shared>>
      tpu.enqueue_dma source(%dma_start3A_15 : memref<640x128xf32, #tpu.memory_space<vmem_shared>>) target(%dma_start3A_13 : memref<640x128xf32, #tpu.memory_space<hbm>>) target_semaphore(%run_scoped3A : memref<!tpu.dma_semaphore, #tpu.memory_space<semaphore_mem>>)
      %dma_wait3A = arith.constant 0 : i32
      %dma_wait3A_16 = tpu.memref_slice %arg6[%arg0, %mul3A_11, %dma_wait3A] : memref<2x10240x128xf32, #tpu.memory_space<hbm>> -> memref<1x640x128xf32, #tpu.memory_space<hbm>>
      %dma_wait3A_17 = tpu.memref_squeeze %dma_wait3A_16 : memref<1x640x128xf32, #tpu.memory_space<hbm>> -> memref<640x128xf32, #tpu.memory_space<hbm>>
      %dma_wait3A_18 = arith.constant 0 : i32
      %dma_wait3A_19 = tpu.memref_slice %arg11[%mul3A_9, %dma_wait3A_18] : memref<10240x128xf32, #tpu.memory_space<vmem_shared>> -> memref<640x128xf32, #tpu.memory_space<vmem_shared>>
      tpu.wait_dma2 semaphore(%run_scoped3A : memref<!tpu.dma_semaphore, #tpu.memory_space<semaphore_mem>>) src(%dma_wait3A_19 : memref<640x128xf32, #tpu.memory_space<vmem_shared>>) dst(%dma_wait3A_17 : memref<640x128xf32, #tpu.memory_space<hbm>>)
      tpu.yield
    }) : () -> ()
    return
  }
}

#map = affine_map<(d0, d1) -> (0, 0, 0)>
#map1 = affine_map<(d0, d1) -> (0, 0)>
module attributes {stable_mosaic.version = 14 : i64} {
  func.func @k(%arg0: i32, %arg1: i32, %arg2: memref<2x2560x125xi32, #tpu.memory_space<hbm>>, %arg3: memref<2560x125xi32, #tpu.memory_space<hbm>>, %arg4: memref<20000x128xf32, #tpu.memory_space<hbm>>, %arg5: memref<640x128xf32, #tpu.memory_space<hbm>>, %arg6: memref<2x10240x128xf32, #tpu.memory_space<hbm>>, %arg7: memref<40x125xi32, #tpu.memory_space<vmem>>, %arg8: memref<40x125xi32, #tpu.memory_space<vmem>>, %arg9: memref<125x128xf32, #tpu.memory_space<vmem>>, %arg10: memref<125x128xf32, #tpu.memory_space<vmem>>, %arg11: memref<10240x128xf32, #tpu.memory_space<vmem_shared>>, %arg12: memref<!tpu.dma_semaphore, #tpu.memory_space<semaphore_mem>>, %arg13: memref<!tpu.dma_semaphore, #tpu.memory_space<semaphore_mem>>) attributes {dimension_semantics = [#tpu.dimension_semantics<core_parallel>, #tpu.dimension_semantics<subcore_parallel>], iteration_bounds = array<i64: 2, 16>, scalar_prefetch = 0 : i64, scratch_operands = 7 : i64, tpu.core_type = #tpu.core_type<sc_vector_subcore>, window_params = [{transform_indices = #map}, {transform_indices = #map1}, {transform_indices = #map1}, {transform_indices = #map1}, {transform_indices = #map}]} {
    %mul3A = arith.constant 640 : i32
    %mul3A_0 = arith.muli %arg1, %mul3A : i32
    "tpu.region"() ({
      %run_scoped3A = tpu.sem_alloc : memref<!tpu.dma_semaphore, #tpu.memory_space<semaphore_mem>>
      %dma_start3A = arith.constant 0 : i32
      %dma_start3A_10 = tpu.memref_slice %arg11[%mul3A_0, %dma_start3A] : memref<10240x128xf32, #tpu.memory_space<vmem_shared>> -> memref<640x128xf32, #tpu.memory_space<vmem_shared>>
      tpu.enqueue_dma source(%arg5 : memref<640x128xf32, #tpu.memory_space<hbm>>) target(%dma_start3A_10 : memref<640x128xf32, #tpu.memory_space<vmem_shared>>) target_semaphore(%run_scoped3A : memref<!tpu.dma_semaphore, #tpu.memory_space<semaphore_mem>>)
      %dma_wait3A = arith.constant 0 : i32
      %dma_wait3A_11 = tpu.memref_slice %arg11[%mul3A_0, %dma_wait3A] : memref<10240x128xf32, #tpu.memory_space<vmem_shared>> -> memref<640x128xf32, #tpu.memory_space<vmem_shared>>
      tpu.wait_dma2 semaphore(%run_scoped3A : memref<!tpu.dma_semaphore, #tpu.memory_space<semaphore_mem>>) src(%arg5 : memref<640x128xf32, #tpu.memory_space<hbm>>) dst(%dma_wait3A_11 : memref<640x128xf32, #tpu.memory_space<vmem_shared>>)
      tpu.yield
    }) : () -> ()
    %barrier3A = arith.constant 0 : index
    tpu.barrier barrier_id(%barrier3A)
    %scan3A = arith.constant 0 : i32
    %scan3A_1 = arith.constant 4 : i32
    %scan3A_2 = arith.addi %scan3A, %scan3A_1 : i32
    %scan3A_3 = arith.constant 1 : i32
    scf.for %scan3A_10 = %scan3A to %scan3A_2 step %scan3A_3  : i32 {
      %mul3A_11 = arith.constant 1 : i32
      %mul3A_12 = arith.muli %scan3A_10, %mul3A_11 : i32
      %add3A = arith.constant 0 : i32
      %add3A_13 = arith.addi %add3A, %mul3A_12 : i32
      %mul3A_14 = arith.constant 160 : i32
      %mul3A_15 = arith.muli %arg1, %mul3A_14 : i32
      %mul3A_16 = arith.constant 40 : i32
      %mul3A_17 = arith.muli %add3A_13, %mul3A_16 : i32
      %add3A_18 = arith.addi %mul3A_15, %mul3A_17 : i32
      "tpu.region"() ({
        %run_scoped3A = tpu.sem_alloc : memref<!tpu.dma_semaphore, #tpu.memory_space<semaphore_mem>>
        %dma_start3A_30 = arith.constant 0 : i32
        %dma_start3A_31 = tpu.memref_slice %arg2[%arg0, %add3A_18, %dma_start3A_30] : memref<2x2560x125xi32, #tpu.memory_space<hbm>> -> memref<1x40x125xi32, #tpu.memory_space<hbm>>
        %dma_start3A_32 = tpu.memref_squeeze %dma_start3A_31 : memref<1x40x125xi32, #tpu.memory_space<hbm>> -> memref<40x125xi32, #tpu.memory_space<hbm>>
        %dma_start3A_33 = arith.constant 0 : i32
        %dma_start3A_34 = tpu.memref_slice %arg2[%arg0, %add3A_18, %dma_start3A_33] : memref<2x2560x125xi32, #tpu.memory_space<hbm>> -> memref<1x40x125xi32, #tpu.memory_space<hbm>>
        %dma_start3A_35 = tpu.memref_squeeze %dma_start3A_34 : memref<1x40x125xi32, #tpu.memory_space<hbm>> -> memref<40x125xi32, #tpu.memory_space<hbm>>
        tpu.enqueue_dma source(%dma_start3A_35 : memref<40x125xi32, #tpu.memory_space<hbm>>) target(%arg7 : memref<40x125xi32, #tpu.memory_space<vmem>>) target_semaphore(%run_scoped3A : memref<!tpu.dma_semaphore, #tpu.memory_space<semaphore_mem>>)
        %dma_wait3A = arith.constant 0 : i32
        %dma_wait3A_36 = tpu.memref_slice %arg2[%arg0, %add3A_18, %dma_wait3A] : memref<2x2560x125xi32, #tpu.memory_space<hbm>> -> memref<1x40x125xi32, #tpu.memory_space<hbm>>
        %dma_wait3A_37 = tpu.memref_squeeze %dma_wait3A_36 : memref<1x40x125xi32, #tpu.memory_space<hbm>> -> memref<40x125xi32, #tpu.memory_space<hbm>>
        %dma_wait3A_38 = arith.constant 0 : i32
        %dma_wait3A_39 = tpu.memref_slice %arg2[%arg0, %add3A_18, %dma_wait3A_38] : memref<2x2560x125xi32, #tpu.memory_space<hbm>> -> memref<1x40x125xi32, #tpu.memory_space<hbm>>
        %dma_wait3A_40 = tpu.memref_squeeze %dma_wait3A_39 : memref<1x40x125xi32, #tpu.memory_space<hbm>> -> memref<40x125xi32, #tpu.memory_space<hbm>>
        tpu.wait_dma2 semaphore(%run_scoped3A : memref<!tpu.dma_semaphore, #tpu.memory_space<semaphore_mem>>) src(%dma_wait3A_40 : memref<40x125xi32, #tpu.memory_space<hbm>>) dst(%arg7 : memref<40x125xi32, #tpu.memory_space<vmem>>)
        tpu.yield
      }) : () -> ()
      "tpu.region"() ({
        %run_scoped3A = tpu.sem_alloc : memref<!tpu.dma_semaphore, #tpu.memory_space<semaphore_mem>>
        %dma_start3A_30 = arith.constant 0 : i32
        %dma_start3A_31 = tpu.memref_slice %arg3[%add3A_18, %dma_start3A_30] : memref<2560x125xi32, #tpu.memory_space<hbm>> -> memref<40x125xi32, #tpu.memory_space<hbm>>
        %dma_start3A_32 = arith.constant 0 : i32
        %dma_start3A_33 = tpu.memref_slice %arg3[%add3A_18, %dma_start3A_32] : memref<2560x125xi32, #tpu.memory_space<hbm>> -> memref<40x125xi32, #tpu.memory_space<hbm>>
        tpu.enqueue_dma source(%dma_start3A_33 : memref<40x125xi32, #tpu.memory_space<hbm>>) target(%arg8 : memref<40x125xi32, #tpu.memory_space<vmem>>) target_semaphore(%run_scoped3A : memref<!tpu.dma_semaphore, #tpu.memory_space<semaphore_mem>>)
        %dma_wait3A = arith.constant 0 : i32
        %dma_wait3A_34 = tpu.memref_slice %arg3[%add3A_18, %dma_wait3A] : memref<2560x125xi32, #tpu.memory_space<hbm>> -> memref<40x125xi32, #tpu.memory_space<hbm>>
        %dma_wait3A_35 = arith.constant 0 : i32
        %dma_wait3A_36 = tpu.memref_slice %arg3[%add3A_18, %dma_wait3A_35] : memref<2560x125xi32, #tpu.memory_space<hbm>> -> memref<40x125xi32, #tpu.memory_space<hbm>>
        tpu.wait_dma2 semaphore(%run_scoped3A : memref<!tpu.dma_semaphore, #tpu.memory_space<semaphore_mem>>) src(%dma_wait3A_36 : memref<40x125xi32, #tpu.memory_space<hbm>>) dst(%arg8 : memref<40x125xi32, #tpu.memory_space<vmem>>)
        tpu.yield
      }) : () -> ()
      %dma_start3A = arith.constant 0 : i32
      %dma_start3A_19 = arith.constant 0 : i32
      %dma_start3A_20 = tpu.memref_slice %arg7[%dma_start3A, %dma_start3A_19] : memref<40x125xi32, #tpu.memory_space<vmem>> -> memref<1x125xi32, #tpu.memory_space<vmem>>
      %dma_start3A_21 = tpu.memref_squeeze %dma_start3A_20 : memref<1x125xi32, #tpu.memory_space<vmem>> -> memref<125xi32, #tpu.memory_space<vmem>>
      %dma_start3A_22 = arith.constant 0 : i32
      %dma_start3A_23 = arith.constant 0 : i32
      %dma_start3A_24 = tpu.memref_slice %arg4[%dma_start3A_22, %dma_start3A_23] : memref<20000x128xf32, #tpu.memory_space<hbm>> -> memref<20000x128xf32, #tpu.memory_space<hbm>>
      tpu.enqueue_indirect_dma source(%dma_start3A_24 : memref<20000x128xf32, #tpu.memory_space<hbm>>) target(%arg9 : memref<125x128xf32, #tpu.memory_space<vmem>>) offsets(%dma_start3A_21 : memref<125xi32, #tpu.memory_space<vmem>>) semaphore(%arg12 : memref<!tpu.dma_semaphore, #tpu.memory_space<semaphore_mem>>)
      %scan3A_25 = arith.constant 0 : i32
      %scan3A_26 = arith.constant 20 : i32
      %scan3A_27 = arith.addi %scan3A_25, %scan3A_26 : i32
      %scan3A_28 = arith.constant 1 : i32
      scf.for %scan3A_30 = %scan3A_25 to %scan3A_27 step %scan3A_28  : i32 {
        %mul3A_31 = arith.constant 1 : i32
        %mul3A_32 = arith.muli %scan3A_30, %mul3A_31 : i32
        %add3A_33 = arith.constant 0 : i32
        %add3A_34 = arith.addi %add3A_33, %mul3A_32 : i32
        %mul3A_35 = arith.constant 2 : i32
        %mul3A_36 = arith.muli %mul3A_35, %add3A_34 : i32
        %dma_wait3A = arith.constant 0 : i32
        %dma_wait3A_37 = tpu.memref_slice %arg7[%mul3A_36, %dma_wait3A] : memref<40x125xi32, #tpu.memory_space<vmem>> -> memref<1x125xi32, #tpu.memory_space<vmem>>
        %dma_wait3A_38 = tpu.memref_squeeze %dma_wait3A_37 : memref<1x125xi32, #tpu.memory_space<vmem>> -> memref<125xi32, #tpu.memory_space<vmem>>
        %dma_wait3A_39 = arith.constant 0 : i32
        %dma_wait3A_40 = arith.constant 0 : i32
        %dma_wait3A_41 = tpu.memref_slice %arg4[%dma_wait3A_39, %dma_wait3A_40] : memref<20000x128xf32, #tpu.memory_space<hbm>> -> memref<20000x128xf32, #tpu.memory_space<hbm>>
        tpu.wait_indirect_dma semaphore(%arg12 : memref<!tpu.dma_semaphore, #tpu.memory_space<semaphore_mem>>) src(%dma_wait3A_41 : memref<20000x128xf32, #tpu.memory_space<hbm>>) dst(%arg9 : memref<125x128xf32, #tpu.memory_space<vmem>>)
        %add3A_42 = arith.constant 1 : i32
        %add3A_43 = arith.addi %mul3A_36, %add3A_42 : i32
        %dma_start3A_44 = arith.constant 0 : i32
        %dma_start3A_45 = tpu.memref_slice %arg7[%add3A_43, %dma_start3A_44] : memref<40x125xi32, #tpu.memory_space<vmem>> -> memref<1x125xi32, #tpu.memory_space<vmem>>
        %dma_start3A_46 = tpu.memref_squeeze %dma_start3A_45 : memref<1x125xi32, #tpu.memory_space<vmem>> -> memref<125xi32, #tpu.memory_space<vmem>>
        %dma_start3A_47 = arith.constant 0 : i32
        %dma_start3A_48 = arith.constant 0 : i32
        %dma_start3A_49 = tpu.memref_slice %arg4[%dma_start3A_47, %dma_start3A_48] : memref<20000x128xf32, #tpu.memory_space<hbm>> -> memref<20000x128xf32, #tpu.memory_space<hbm>>
        tpu.enqueue_indirect_dma source(%dma_start3A_49 : memref<20000x128xf32, #tpu.memory_space<hbm>>) target(%arg10 : memref<125x128xf32, #tpu.memory_space<vmem>>) offsets(%dma_start3A_46 : memref<125xi32, #tpu.memory_space<vmem>>) semaphore(%arg13 : memref<!tpu.dma_semaphore, #tpu.memory_space<semaphore_mem>>)
        "tpu.region"() ({
          %run_scoped3A = tpu.sem_alloc : memref<!tpu.dma_semaphore, #tpu.memory_space<semaphore_mem>>
          %dma_start3A_62 = arith.constant 0 : i32
          %dma_start3A_63 = tpu.memref_slice %arg8[%mul3A_36, %dma_start3A_62] : memref<40x125xi32, #tpu.memory_space<vmem>> -> memref<1x125xi32, #tpu.memory_space<vmem>>
          %dma_start3A_64 = tpu.memref_squeeze %dma_start3A_63 : memref<1x125xi32, #tpu.memory_space<vmem>> -> memref<125xi32, #tpu.memory_space<vmem>>
          %dma_start3A_65 = arith.constant 0 : i32
          %dma_start3A_66 = arith.constant 0 : i32
          %dma_start3A_67 = tpu.memref_slice %arg11[%dma_start3A_65, %dma_start3A_66] : memref<10240x128xf32, #tpu.memory_space<vmem_shared>> -> memref<10240x128xf32, #tpu.memory_space<vmem_shared>>
          tpu.enqueue_indirect_dma source(%arg9 : memref<125x128xf32, #tpu.memory_space<vmem>>) target(%dma_start3A_67 : memref<10240x128xf32, #tpu.memory_space<vmem_shared>>) offsets(%dma_start3A_64 : memref<125xi32, #tpu.memory_space<vmem>>) semaphore(%run_scoped3A : memref<!tpu.dma_semaphore, #tpu.memory_space<semaphore_mem>>) {add = true}
          %dma_wait3A_68 = arith.constant 0 : i32
          %dma_wait3A_69 = tpu.memref_slice %arg8[%mul3A_36, %dma_wait3A_68] : memref<40x125xi32, #tpu.memory_space<vmem>> -> memref<1x125xi32, #tpu.memory_space<vmem>>
          %dma_wait3A_70 = tpu.memref_squeeze %dma_wait3A_69 : memref<1x125xi32, #tpu.memory_space<vmem>> -> memref<125xi32, #tpu.memory_space<vmem>>
          %dma_wait3A_71 = arith.constant 0 : i32
          %dma_wait3A_72 = arith.constant 0 : i32
          %dma_wait3A_73 = tpu.memref_slice %arg11[%dma_wait3A_71, %dma_wait3A_72] : memref<10240x128xf32, #tpu.memory_space<vmem_shared>> -> memref<10240x128xf32, #tpu.memory_space<vmem_shared>>
          tpu.wait_indirect_dma semaphore(%run_scoped3A : memref<!tpu.dma_semaphore, #tpu.memory_space<semaphore_mem>>) src(%arg9 : memref<125x128xf32, #tpu.memory_space<vmem>>) dst(%dma_wait3A_73 : memref<10240x128xf32, #tpu.memory_space<vmem_shared>>)
          tpu.yield
        }) : () -> ()
        %add3A_50 = arith.constant 1 : i32
        %add3A_51 = arith.addi %mul3A_36, %add3A_50 : i32
        %dma_wait3A_52 = arith.constant 0 : i32
        %dma_wait3A_53 = tpu.memref_slice %arg7[%add3A_51, %dma_wait3A_52] : memref<40x125xi32, #tpu.memory_space<vmem>> -> memref<1x125xi32, #tpu.memory_space<vmem>>
        %dma_wait3A_54 = tpu.memref_squeeze %dma_wait3A_53 : memref<1x125xi32, #tpu.memory_space<vmem>> -> memref<125xi32, #tpu.memory_space<vmem>>
        %dma_wait3A_55 = arith.constant 0 : i32
        %dma_wait3A_56 = arith.constant 0 : i32
        %dma_wait3A_57 = tpu.memref_slice %arg4[%dma_wait3A_55, %dma_wait3A_56] : memref<20000x128xf32, #tpu.memory_space<hbm>> -> memref<20000x128xf32, #tpu.memory_space<hbm>>
        tpu.wait_indirect_dma semaphore(%arg13 : memref<!tpu.dma_semaphore, #tpu.memory_space<semaphore_mem>>) src(%dma_wait3A_57 : memref<20000x128xf32, #tpu.memory_space<hbm>>) dst(%arg10 : memref<125x128xf32, #tpu.memory_space<vmem>>)
        %lt3A = arith.constant 19 : i32
        %lt3A_58 = arith.cmpi slt, %add3A_34, %lt3A : i32
        %convert_element_type3A = arith.extui %lt3A_58 : i1 to i32
        %cond3A = arith.constant 0 : i32
        %cond3A_59 = arith.cmpi ne, %convert_element_type3A, %cond3A : i32
        scf.if %cond3A_59 {
          %add3A_62 = arith.constant 2 : i32
          %add3A_63 = arith.addi %mul3A_36, %add3A_62 : i32
          %dma_start3A_64 = arith.constant 0 : i32
          %dma_start3A_65 = tpu.memref_slice %arg7[%add3A_63, %dma_start3A_64] : memref<40x125xi32, #tpu.memory_space<vmem>> -> memref<1x125xi32, #tpu.memory_space<vmem>>
          %dma_start3A_66 = tpu.memref_squeeze %dma_start3A_65 : memref<1x125xi32, #tpu.memory_space<vmem>> -> memref<125xi32, #tpu.memory_space<vmem>>
          %dma_start3A_67 = arith.constant 0 : i32
          %dma_start3A_68 = arith.constant 0 : i32
          %dma_start3A_69 = tpu.memref_slice %arg4[%dma_start3A_67, %dma_start3A_68] : memref<20000x128xf32, #tpu.memory_space<hbm>> -> memref<20000x128xf32, #tpu.memory_space<hbm>>
          tpu.enqueue_indirect_dma source(%dma_start3A_69 : memref<20000x128xf32, #tpu.memory_space<hbm>>) target(%arg9 : memref<125x128xf32, #tpu.memory_space<vmem>>) offsets(%dma_start3A_66 : memref<125xi32, #tpu.memory_space<vmem>>) semaphore(%arg12 : memref<!tpu.dma_semaphore, #tpu.memory_space<semaphore_mem>>)
        } else {
        }
        %add3A_60 = arith.constant 1 : i32
        %add3A_61 = arith.addi %mul3A_36, %add3A_60 : i32
        "tpu.region"() ({
          %run_scoped3A = tpu.sem_alloc : memref<!tpu.dma_semaphore, #tpu.memory_space<semaphore_mem>>
          %dma_start3A_62 = arith.constant 0 : i32
          %dma_start3A_63 = tpu.memref_slice %arg8[%add3A_61, %dma_start3A_62] : memref<40x125xi32, #tpu.memory_space<vmem>> -> memref<1x125xi32, #tpu.memory_space<vmem>>
          %dma_start3A_64 = tpu.memref_squeeze %dma_start3A_63 : memref<1x125xi32, #tpu.memory_space<vmem>> -> memref<125xi32, #tpu.memory_space<vmem>>
          %dma_start3A_65 = arith.constant 0 : i32
          %dma_start3A_66 = arith.constant 0 : i32
          %dma_start3A_67 = tpu.memref_slice %arg11[%dma_start3A_65, %dma_start3A_66] : memref<10240x128xf32, #tpu.memory_space<vmem_shared>> -> memref<10240x128xf32, #tpu.memory_space<vmem_shared>>
          tpu.enqueue_indirect_dma source(%arg10 : memref<125x128xf32, #tpu.memory_space<vmem>>) target(%dma_start3A_67 : memref<10240x128xf32, #tpu.memory_space<vmem_shared>>) offsets(%dma_start3A_64 : memref<125xi32, #tpu.memory_space<vmem>>) semaphore(%run_scoped3A : memref<!tpu.dma_semaphore, #tpu.memory_space<semaphore_mem>>) {add = true}
          %dma_wait3A_68 = arith.constant 0 : i32
          %dma_wait3A_69 = tpu.memref_slice %arg8[%add3A_61, %dma_wait3A_68] : memref<40x125xi32, #tpu.memory_space<vmem>> -> memref<1x125xi32, #tpu.memory_space<vmem>>
          %dma_wait3A_70 = tpu.memref_squeeze %dma_wait3A_69 : memref<1x125xi32, #tpu.memory_space<vmem>> -> memref<125xi32, #tpu.memory_space<vmem>>
          %dma_wait3A_71 = arith.constant 0 : i32
          %dma_wait3A_72 = arith.constant 0 : i32
          %dma_wait3A_73 = tpu.memref_slice %arg11[%dma_wait3A_71, %dma_wait3A_72] : memref<10240x128xf32, #tpu.memory_space<vmem_shared>> -> memref<10240x128xf32, #tpu.memory_space<vmem_shared>>
          tpu.wait_indirect_dma semaphore(%run_scoped3A : memref<!tpu.dma_semaphore, #tpu.memory_space<semaphore_mem>>) src(%arg10 : memref<125x128xf32, #tpu.memory_space<vmem>>) dst(%dma_wait3A_73 : memref<10240x128xf32, #tpu.memory_space<vmem_shared>>)
          tpu.yield
        }) : () -> ()
      }
      %scan3A_29 = arith.constant 20 : i32
    }
    %scan3A_4 = arith.constant 4 : i32
    %barrier3A_5 = arith.constant 0 : index
    tpu.barrier barrier_id(%barrier3A_5)
    %mul3A_6 = arith.constant 640 : i32
    %mul3A_7 = arith.muli %arg1, %mul3A_6 : i32
    %mul3A_8 = arith.constant 640 : i32
    %mul3A_9 = arith.muli %arg1, %mul3A_8 : i32
    "tpu.region"() ({
      %run_scoped3A = tpu.sem_alloc : memref<!tpu.dma_semaphore, #tpu.memory_space<semaphore_mem>>
      %dma_start3A = arith.constant 0 : i32
      %dma_start3A_10 = tpu.memref_slice %arg6[%arg0, %mul3A_9, %dma_start3A] : memref<2x10240x128xf32, #tpu.memory_space<hbm>> -> memref<1x640x128xf32, #tpu.memory_space<hbm>>
      %dma_start3A_11 = tpu.memref_squeeze %dma_start3A_10 : memref<1x640x128xf32, #tpu.memory_space<hbm>> -> memref<640x128xf32, #tpu.memory_space<hbm>>
      %dma_start3A_12 = arith.constant 0 : i32
      %dma_start3A_13 = tpu.memref_slice %arg11[%mul3A_7, %dma_start3A_12] : memref<10240x128xf32, #tpu.memory_space<vmem_shared>> -> memref<640x128xf32, #tpu.memory_space<vmem_shared>>
      tpu.enqueue_dma source(%dma_start3A_13 : memref<640x128xf32, #tpu.memory_space<vmem_shared>>) target(%dma_start3A_11 : memref<640x128xf32, #tpu.memory_space<hbm>>) target_semaphore(%run_scoped3A : memref<!tpu.dma_semaphore, #tpu.memory_space<semaphore_mem>>)
      %dma_wait3A = arith.constant 0 : i32
      %dma_wait3A_14 = tpu.memref_slice %arg6[%arg0, %mul3A_9, %dma_wait3A] : memref<2x10240x128xf32, #tpu.memory_space<hbm>> -> memref<1x640x128xf32, #tpu.memory_space<hbm>>
      %dma_wait3A_15 = tpu.memref_squeeze %dma_wait3A_14 : memref<1x640x128xf32, #tpu.memory_space<hbm>> -> memref<640x128xf32, #tpu.memory_space<hbm>>
      %dma_wait3A_16 = arith.constant 0 : i32
      %dma_wait3A_17 = tpu.memref_slice %arg11[%mul3A_7, %dma_wait3A_16] : memref<10240x128xf32, #tpu.memory_space<vmem_shared>> -> memref<640x128xf32, #tpu.memory_space<vmem_shared>>
      tpu.wait_dma2 semaphore(%run_scoped3A : memref<!tpu.dma_semaphore, #tpu.memory_space<semaphore_mem>>) src(%dma_wait3A_17 : memref<640x128xf32, #tpu.memory_space<vmem_shared>>) dst(%dma_wait3A_15 : memref<640x128xf32, #tpu.memory_space<hbm>>)
      tpu.yield
    }) : () -> ()
    return
  }
}

module attributes {stable_mosaic.version = 14 : i64} {
  func.func @body(%arg0: i32, %arg1: memref<2x1000x128xf32, #tpu.memory_space<vmem>>, %arg2: memref<1000x128xf32, #tpu.memory_space<vmem>>, %arg3: memref<1000x128xf32, #tpu.memory_space<vmem>>, %arg4: memref<1000x1xf32, #tpu.memory_space<vmem>>) attributes {dimension_semantics = [#tpu.dimension_semantics<arbitrary>], iteration_bounds = array<i64: 10>, scalar_prefetch = 0 : i64, scratch_operands = 0 : i64, tpu.core_type = #tpu.core_type<tc>, window_params = [{transform_indices = @transform_0, window_bounds = array<i64: 2, 1000, 128>}, {transform_indices = @transform_1, window_bounds = array<i64: 1000, 128>}, {transform_indices = @transform_2, window_bounds = array<i64: 1000, 128>}, {transform_indices = @transform_3, window_bounds = array<i64: 1000, 1>}]} {
    %get3A = arith.constant 0 : index
    %get3A_0 = arith.constant 0 : index
    %get3A_1 = arith.constant 0 : index
    %get3A_2 = vector.load %arg1[%get3A, %get3A_0, %get3A_1] : memref<2x1000x128xf32, #tpu.memory_space<vmem>>, vector<2x1000x128xf32>
    %slice3A = vector.extract_strided_slice %get3A_2 {offsets = [0, 0, 0], sizes = [1, 1000, 1], strides = [1, 1, 1]} : vector<2x1000x128xf32> to vector<1x1000x1xf32>
    %squeeze3A = vector.shape_cast %slice3A : vector<1x1000x1xf32> to vector<1000xf32>
    %slice3A_3 = vector.extract_strided_slice %get3A_2 {offsets = [1, 0, 0], sizes = [1, 1000, 1], strides = [1, 1, 1]} : vector<2x1000x128xf32> to vector<1x1000x1xf32>
    %squeeze3A_4 = vector.shape_cast %slice3A_3 : vector<1x1000x1xf32> to vector<1000xf32>
    %add3A = arith.addf %squeeze3A, %squeeze3A_4 : vector<1000xf32>
    %add3A_5 = arith.constant 1.000000e+00 : f32
    %add3A_6 = vector.broadcast %add3A_5 : f32 to vector<1000xf32>
    %add3A_7 = arith.addf %add3A, %add3A_6 : vector<1000xf32>
    %rsqrt3A = math.rsqrt %add3A_7 : vector<1000xf32>
    %mul3A = arith.constant 5.000000e-01 : f32
    %mul3A_8 = vector.broadcast %mul3A : f32 to vector<1000xf32>
    %mul3A_9 = arith.mulf %mul3A_8, %add3A_7 : vector<1000xf32>
    %mul3A_10 = arith.mulf %mul3A_9, %rsqrt3A : vector<1000xf32>
    %mul3A_11 = arith.mulf %mul3A_10, %rsqrt3A : vector<1000xf32>
    %sub3A = arith.constant 1.500000e+00 : f32
    %sub3A_12 = vector.broadcast %sub3A : f32 to vector<1000xf32>
    %sub3A_13 = arith.subf %sub3A_12, %mul3A_11 : vector<1000xf32>
    %mul3A_14 = arith.mulf %rsqrt3A, %sub3A_13 : vector<1000xf32>
    %broadcast_in_dim3A = vector.shape_cast %mul3A_14 : vector<1000xf32> to vector<1000x1xf32>
    %get3A_15 = arith.constant 0 : index
    %get3A_16 = arith.constant 0 : index
    %get3A_17 = vector.load %arg2[%get3A_15, %get3A_16] : memref<1000x128xf32, #tpu.memory_space<vmem>>, vector<1000x128xf32>
    %convert_element_type3A = arith.truncf %get3A_17 : vector<1000x128xf32> to vector<1000x128xbf16>
    %convert_element_type3A_18 = arith.extf %convert_element_type3A : vector<1000x128xbf16> to vector<1000x128xf32>
    %mul3A_19 = vector.broadcast %broadcast_in_dim3A : vector<1000x1xf32> to vector<1000x128xf32>
    %mul3A_20 = arith.mulf %convert_element_type3A_18, %mul3A_19 : vector<1000x128xf32>
    %swap3A = arith.constant 0 : index
    %swap3A_21 = arith.constant 0 : index
    %swap3A_22 = vector.load %arg3[%swap3A, %swap3A_21] : memref<1000x128xf32, #tpu.memory_space<vmem>>, vector<1000x128xf32>
    tpu.vector_store %arg3[%swap3A, %swap3A_21], %mul3A_20 {strides = array<i32>} : memref<1000x128xf32, #tpu.memory_space<vmem>>, vector<1000x128xf32>,
    %swap3A_23 = arith.constant 0 : index
    %swap3A_24 = arith.constant 0 : index
    %swap3A_25 = vector.load %arg4[%swap3A_23, %swap3A_24] : memref<1000x1xf32, #tpu.memory_space<vmem>>, vector<1000x1xf32>
    tpu.vector_store %arg4[%swap3A_23, %swap3A_24], %broadcast_in_dim3A {strides = array<i32>} : memref<1000x1xf32, #tpu.memory_space<vmem>>, vector<1000x1xf32>,
    return
  }
  func.func @transform_0(%arg0: i32) -> (i32, i32, i32) {
    %c0_i32 = arith.constant 0 : i32
    %c0_i32_0 = arith.constant 0 : i32
    %c0_i32_1 = arith.constant 0 : i32
    return %c0_i32, %arg0, %c0_i32_0 : i32, i32, i32
  }
  func.func @transform_1(%arg0: i32) -> (i32, i32) {
    %c0_i32 = arith.constant 0 : i32
    %c0_i32_0 = arith.constant 0 : i32
    return %arg0, %c0_i32 : i32, i32
  }
  func.func @transform_2(%arg0: i32) -> (i32, i32) {
    %c0_i32 = arith.constant 0 : i32
    %c0_i32_0 = arith.constant 0 : i32
    return %arg0, %c0_i32 : i32, i32
  }
  func.func @transform_3(%arg0: i32) -> (i32, i32) {
    %c0_i32 = arith.constant 0 : i32
    %c0_i32_0 = arith.constant 0 : i32
    return %arg0, %c0_i32 : i32, i32
  }
}

module attributes {stable_mosaic.version = 14 : i64} {
  func.func @body(%arg0: i32, %arg1: memref<2x1000x128xf32, #tpu.memory_space<vmem>>, %arg2: memref<1000x1xf32, #tpu.memory_space<vmem>>, %arg3: memref<1000x128xf32, #tpu.memory_space<vmem>>, %arg4: memref<128x256xf32, #tpu.memory_space<vmem>>, %arg5: memref<1x256xf32, #tpu.memory_space<vmem>>, %arg6: memref<256x256xf32, #tpu.memory_space<vmem>>, %arg7: memref<2x1000x128xf32, #tpu.memory_space<vmem>>) attributes {dimension_semantics = [#tpu.dimension_semantics<arbitrary>], iteration_bounds = array<i64: 10>, scalar_prefetch = 0 : i64, scratch_operands = 0 : i64, tpu.core_type = #tpu.core_type<tc>, window_params = [{transform_indices = @transform_0, window_bounds = array<i64: 2, 1000, 128>}, {transform_indices = @transform_1, window_bounds = array<i64: 1000, 1>}, {transform_indices = @transform_2, window_bounds = array<i64: 1000, 128>}, {pipeline_mode = #tpu.pipeline_mode<synchronous>, transform_indices = @transform_3, window_bounds = array<i64: 128, 256>}, {pipeline_mode = #tpu.pipeline_mode<synchronous>, transform_indices = @transform_4, window_bounds = array<i64: 1, 256>}, {pipeline_mode = #tpu.pipeline_mode<synchronous>, transform_indices = @transform_5, window_bounds = array<i64: 256, 256>}, {transform_indices = @transform_6, window_bounds = array<i64: 2, 1000, 128>}]} {
    %get3A = arith.constant 0 : index
    %get3A_0 = arith.constant 0 : index
    %get3A_1 = vector.load %arg2[%get3A, %get3A_0] : memref<1000x1xf32, #tpu.memory_space<vmem>>, vector<1000x1xf32>
    %get3A_2 = arith.constant 0 : index
    %get3A_3 = arith.constant 0 : index
    %get3A_4 = arith.constant 0 : index
    %get3A_5 = vector.load %arg1[%get3A_2, %get3A_3, %get3A_4] : memref<2x1000x128xf32, #tpu.memory_space<vmem>>, vector<2x1000x128xf32>
    %slice3A = vector.extract_strided_slice %get3A_5 {offsets = [0, 0, 0], sizes = [1, 1000, 128], strides = [1, 1, 1]} : vector<2x1000x128xf32> to vector<1x1000x128xf32>
    %squeeze3A = vector.shape_cast %slice3A : vector<1x1000x128xf32> to vector<1000x128xf32>
    %slice3A_6 = vector.extract_strided_slice %get3A_5 {offsets = [1, 0, 0], sizes = [1, 1000, 128], strides = [1, 1, 1]} : vector<2x1000x128xf32> to vector<1x1000x128xf32>
    %squeeze3A_7 = vector.shape_cast %slice3A_6 : vector<1x1000x128xf32> to vector<1000x128xf32>
    %add3A = arith.addf %squeeze3A, %squeeze3A_7 : vector<1000x128xf32>
    %mul3A = vector.broadcast %get3A_1 : vector<1000x1xf32> to vector<1000x128xf32>
    %mul3A_8 = arith.mulf %mul3A, %add3A : vector<1000x128xf32>
    %mul3A_9 = arith.mulf %get3A_1, %get3A_1 : vector<1000x1xf32>
    %get3A_10 = arith.constant 0 : index
    %get3A_11 = arith.constant 0 : index
    %get3A_12 = vector.load %arg3[%get3A_10, %get3A_11] : memref<1000x128xf32, #tpu.memory_space<vmem>>, vector<1000x128xf32>
    %convert_element_type3A = arith.truncf %get3A_12 : vector<1000x128xf32> to vector<1000x128xbf16>
    %convert_element_type3A_13 = arith.extf %convert_element_type3A : vector<1000x128xbf16> to vector<1000x128xf32>
    %mul3A_14 = vector.broadcast %mul3A_9 : vector<1000x1xf32> to vector<1000x128xf32>
    %mul3A_15 = arith.mulf %mul3A_14, %convert_element_type3A_13 : vector<1000x128xf32>
    %add3A_16 = arith.addf %mul3A_8, %mul3A_15 : vector<1000x128xf32>
    %get3A_17 = arith.constant 0 : index
    %get3A_18 = arith.constant 0 : index
    %get3A_19 = vector.load %arg4[%get3A_17, %get3A_18] : memref<128x256xf32, #tpu.memory_space<vmem>>, vector<128x256xf32>
    %convert_element_type3A_20 = arith.truncf %get3A_19 : vector<128x256xf32> to vector<128x256xbf16>
    %convert_element_type3A_21 = arith.extf %convert_element_type3A_20 : vector<128x256xbf16> to vector<128x256xf32>
    %dot_general3A = arith.constant dense<0.000000e+00> : vector<1000x256xf32>
    %dot_general3A_22 = tpu.matmul %add3A_16, %convert_element_type3A_21, %dot_general3A {dimension_numbers = #tpu.dot_dimension_numbers<[1], [0], [0], [1], [0, 0, 1, 1], [], []>, precision = #tpu.contract_precision<fp32>, transpose_lhs_hint = false} : vector<1000x128xf32>, vector<128x256xf32>, vector<1000x256xf32> -> vector<1000x256xf32>
    %get3A_23 = arith.constant 0 : index
    %get3A_24 = arith.constant 0 : index
    %get3A_25 = vector.load %arg5[%get3A_23, %get3A_24] : memref<1x256xf32, #tpu.memory_space<vmem>>, vector<1x256xf32>
    %add3A_26 = vector.broadcast %get3A_25 : vector<1x256xf32> to vector<1000x256xf32>
    %add3A_27 = arith.addf %dot_general3A_22, %add3A_26 : vector<1000x256xf32>
    %max3A = arith.constant 0.000000e+00 : f32
    %max3A_28 = vector.broadcast %max3A : f32 to vector<1000x256xf32>
    %max3A_29 = arith.maximumf %add3A_27, %max3A_28 : vector<1000x256xf32>
    %convert_element_type3A_30 = arith.truncf %max3A_29 : vector<1000x256xf32> to vector<1000x256xbf16>
    %convert_element_type3A_31 = arith.extf %convert_element_type3A_30 : vector<1000x256xbf16> to vector<1000x256xf32>
    %get3A_32 = arith.constant 0 : index
    %get3A_33 = arith.constant 0 : index
    %get3A_34 = vector.load %arg6[%get3A_32, %get3A_33] : memref<256x256xf32, #tpu.memory_space<vmem>>, vector<256x256xf32>
    %convert_element_type3A_35 = arith.truncf %get3A_34 : vector<256x256xf32> to vector<256x256xbf16>
    %convert_element_type3A_36 = arith.extf %convert_element_type3A_35 : vector<256x256xbf16> to vector<256x256xf32>
    %dot_general3A_37 = arith.constant dense<0.000000e+00> : vector<1000x256xf32>
    %dot_general3A_38 = tpu.matmul %convert_element_type3A_31, %convert_element_type3A_36, %dot_general3A_37 {dimension_numbers = #tpu.dot_dimension_numbers<[1], [0], [0], [1], [0, 0, 1, 1], [], []>, transpose_lhs_hint = false} : vector<1000x256xf32>, vector<256x256xf32>, vector<1000x256xf32> -> vector<1000x256xf32>
    %mul3A_39 = vector.broadcast %get3A_1 : vector<1000x1xf32> to vector<1000x256xf32>
    %mul3A_40 = arith.mulf %mul3A_39, %dot_general3A_38 : vector<1000x256xf32>
    %slice3A_41 = vector.extract_strided_slice %mul3A_40 {offsets = [0, 0], sizes = [1000, 128], strides = [1, 1]} : vector<1000x256xf32> to vector<1000x128xf32>
    %swap3A = arith.constant 0 : index
    %swap3A_42 = arith.constant 0 : index
    %swap3A_43 = arith.constant 0 : index
    %swap3A_44 = vector.load %arg7[%swap3A, %swap3A_42, %swap3A_43] : memref<2x1000x128xf32, #tpu.memory_space<vmem>>, vector<1x1000x128xf32>
    %swap3A_45 = vector.shape_cast %swap3A_44 : vector<1x1000x128xf32> to vector<1000x128xf32>
    %swap3A_46 = vector.shape_cast %slice3A_41 : vector<1000x128xf32> to vector<1x1000x128xf32>
    tpu.vector_store %arg7[%swap3A, %swap3A_42, %swap3A_43], %swap3A_46 {strides = array<i32>} : memref<2x1000x128xf32, #tpu.memory_space<vmem>>, vector<1x1000x128xf32>,
    %slice3A_47 = vector.extract_strided_slice %mul3A_40 {offsets = [0, 128], sizes = [1000, 128], strides = [1, 1]} : vector<1000x256xf32> to vector<1000x128xf32>
    %swap3A_48 = arith.constant 1 : index
    %swap3A_49 = arith.constant 0 : index
    %swap3A_50 = arith.constant 0 : index
    %swap3A_51 = vector.load %arg7[%swap3A_48, %swap3A_49, %swap3A_50] : memref<2x1000x128xf32, #tpu.memory_space<vmem>>, vector<1x1000x128xf32>
    %swap3A_52 = vector.shape_cast %swap3A_51 : vector<1x1000x128xf32> to vector<1000x128xf32>
    %swap3A_53 = vector.shape_cast %slice3A_47 : vector<1000x128xf32> to vector<1x1000x128xf32>
    tpu.vector_store %arg7[%swap3A_48, %swap3A_49, %swap3A_50], %swap3A_53 {strides = array<i32>} : memref<2x1000x128xf32, #tpu.memory_space<vmem>>, vector<1x1000x128xf32>,
    return
  }
  func.func @transform_0(%arg0: i32) -> (i32, i32, i32) {
    %c0_i32 = arith.constant 0 : i32
    %c0_i32_0 = arith.constant 0 : i32
    %c0_i32_1 = arith.constant 0 : i32
    return %c0_i32, %arg0, %c0_i32_0 : i32, i32, i32
  }
  func.func @transform_1(%arg0: i32) -> (i32, i32) {
    %c0_i32 = arith.constant 0 : i32
    %c0_i32_0 = arith.constant 0 : i32
    return %arg0, %c0_i32 : i32, i32
  }
  func.func @transform_2(%arg0: i32) -> (i32, i32) {
    %c0_i32 = arith.constant 0 : i32
    %c0_i32_0 = arith.constant 0 : i32
    return %arg0, %c0_i32 : i32, i32
  }
  func.func @transform_3(%arg0: i32) -> (i32, i32) {
    %c0_i32 = arith.constant 0 : i32
    %c0_i32_0 = arith.constant 0 : i32
    %c0_i32_1 = arith.constant 0 : i32
    return %c0_i32, %c0_i32_0 : i32, i32
  }
  func.func @transform_4(%arg0: i32) -> (i32, i32) {
    %c0_i32 = arith.constant 0 : i32
    %c0_i32_0 = arith.constant 0 : i32
    %c0_i32_1 = arith.constant 0 : i32
    return %c0_i32, %c0_i32_0 : i32, i32
  }
  func.func @transform_5(%arg0: i32) -> (i32, i32) {
    %c0_i32 = arith.constant 0 : i32
    %c0_i32_0 = arith.constant 0 : i32
    %c0_i32_1 = arith.constant 0 : i32
    return %c0_i32, %c0_i32_0 : i32, i32
  }
  func.func @transform_6(%arg0: i32) -> (i32, i32, i32) {
    %c0_i32 = arith.constant 0 : i32
    %c0_i32_0 = arith.constant 0 : i32
    %c0_i32_1 = arith.constant 0 : i32
    return %c0_i32, %arg0, %c0_i32_0 : i32, i32, i32
  }
}

module attributes {stable_mosaic.version = 14 : i64} {
  func.func @body(%arg0: i32, %arg1: memref<2x1000x128xf32, #tpu.memory_space<vmem>>, %arg2: memref<2x1000x128xf32, #tpu.memory_space<vmem>>, %arg3: memref<1000x1xf32, #tpu.memory_space<vmem>>, %arg4: memref<1x1x1000xi32, #tpu.memory_space<vmem>>, %arg5: memref<1x256xf32, #tpu.memory_space<vmem>>, %arg6: memref<128x256xf32, #tpu.memory_space<vmem>>, %arg7: memref<1x128xf32, #tpu.memory_space<vmem>>, %arg8: memref<1x128xf32, #tpu.memory_space<vmem>>, %arg9: memref<1x1xf32, #tpu.memory_space<vmem>>, %arg10: memref<64x1xf32, #tpu.memory_space<vmem>>, %arg11: memref<64x256xf32, #tpu.memory_space<vmem>>, %arg12: memref<64x128xf32, #tpu.memory_space<vmem>>) attributes {dimension_semantics = [#tpu.dimension_semantics<arbitrary>], iteration_bounds = array<i64: 10>, scalar_prefetch = 0 : i64, scratch_operands = 2 : i64, tpu.core_type = #tpu.core_type<tc>, window_params = [{transform_indices = @transform_0, window_bounds = array<i64: 2, 1000, 128>}, {transform_indices = @transform_1, window_bounds = array<i64: 2, 1000, 128>}, {transform_indices = @transform_2, window_bounds = array<i64: 1000, 1>}, {transform_indices = @transform_3, window_bounds = array<i64: 1, 1, 1000>}, {pipeline_mode = #tpu.pipeline_mode<synchronous>, transform_indices = @transform_4, window_bounds = array<i64: 1, 256>}, {pipeline_mode = #tpu.pipeline_mode<synchronous>, transform_indices = @transform_5, window_bounds = array<i64: 128, 256>}, {pipeline_mode = #tpu.pipeline_mode<synchronous>, transform_indices = @transform_6, window_bounds = array<i64: 1, 128>}, {pipeline_mode = #tpu.pipeline_mode<synchronous>, transform_indices = @transform_7, window_bounds = array<i64: 1, 128>}, {pipeline_mode = #tpu.pipeline_mode<synchronous>, transform_indices = @transform_8, window_bounds = array<i64: 1, 1>}, {pipeline_mode = #tpu.pipeline_mode<synchronous>, transform_indices = @transform_9, window_bounds = array<i64: 64, 1>}]} {
    %eq3A = arith.constant 0 : i32
    %eq3A_0 = arith.cmpi eq, %arg0, %eq3A : i32
    %convert_element_type3A = arith.extui %eq3A_0 : i1 to i32
    %cond3A = arith.constant 0 : i32
    %cond3A_1 = arith.cmpi ne, %convert_element_type3A, %cond3A : i32
    scf.if %cond3A_1 {
      %broadcast_in_dim3A_60 = arith.constant 0.000000e+00 : f32
      %broadcast_in_dim3A_61 = vector.broadcast %broadcast_in_dim3A_60 : f32 to vector<64x256xf32>
      %swap3A_62 = arith.constant 0 : index
      %swap3A_63 = arith.constant 0 : index
      %swap3A_64 = vector.load %arg11[%swap3A_62, %swap3A_63] : memref<64x256xf32, #tpu.memory_space<vmem>>, vector<64x256xf32>
      tpu.vector_store %arg11[%swap3A_62, %swap3A_63], %broadcast_in_dim3A_61 {strides = array<i32>} : memref<64x256xf32, #tpu.memory_space<vmem>>, vector<64x256xf32>,
      %broadcast_in_dim3A_65 = arith.constant 0.000000e+00 : f32
      %broadcast_in_dim3A_66 = vector.broadcast %broadcast_in_dim3A_65 : f32 to vector<64x128xf32>
      %swap3A_67 = arith.constant 0 : index
      %swap3A_68 = arith.constant 0 : index
      %swap3A_69 = vector.load %arg12[%swap3A_67, %swap3A_68] : memref<64x128xf32, #tpu.memory_space<vmem>>, vector<64x128xf32>
      tpu.vector_store %arg12[%swap3A_67, %swap3A_68], %broadcast_in_dim3A_66 {strides = array<i32>} : memref<64x128xf32, #tpu.memory_space<vmem>>, vector<64x128xf32>,
    } else {
    }
    %get3A = arith.constant 0 : index
    %get3A_2 = arith.constant 0 : index
    %get3A_3 = vector.load %arg3[%get3A, %get3A_2] : memref<1000x1xf32, #tpu.memory_space<vmem>>, vector<1000x1xf32>
    %get3A_4 = arith.constant 0 : index
    %get3A_5 = arith.constant 0 : index
    %get3A_6 = arith.constant 0 : index
    %get3A_7 = vector.load %arg1[%get3A_4, %get3A_5, %get3A_6] : memref<2x1000x128xf32, #tpu.memory_space<vmem>>, vector<2x1000x128xf32>
    %slice3A = vector.extract_strided_slice %get3A_7 {offsets = [0, 0, 0], sizes = [1, 1000, 128], strides = [1, 1, 1]} : vector<2x1000x128xf32> to vector<1x1000x128xf32>
    %squeeze3A = vector.shape_cast %slice3A : vector<1x1000x128xf32> to vector<1000x128xf32>
    %slice3A_8 = vector.extract_strided_slice %get3A_7 {offsets = [1, 0, 0], sizes = [1, 1000, 128], strides = [1, 1, 1]} : vector<2x1000x128xf32> to vector<1x1000x128xf32>
    %squeeze3A_9 = vector.shape_cast %slice3A_8 : vector<1x1000x128xf32> to vector<1000x128xf32>
    %concatenate3A = tpu.concatenate %squeeze3A, %squeeze3A_9 in 1 : vector<1000x128xf32>, vector<1000x128xf32> -> vector<1000x256xf32>
    %get3A_10 = arith.constant 0 : index
    %get3A_11 = arith.constant 0 : index
    %get3A_12 = arith.constant 0 : index
    %get3A_13 = vector.load %arg2[%get3A_10, %get3A_11, %get3A_12] : memref<2x1000x128xf32, #tpu.memory_space<vmem>>, vector<2x1000x128xf32>
    %slice3A_14 = vector.extract_strided_slice %get3A_13 {offsets = [0, 0, 0], sizes = [1, 1000, 128], strides = [1, 1, 1]} : vector<2x1000x128xf32> to vector<1x1000x128xf32>
    %squeeze3A_15 = vector.shape_cast %slice3A_14 : vector<1x1000x128xf32> to vector<1000x128xf32>
    %slice3A_16 = vector.extract_strided_slice %get3A_13 {offsets = [1, 0, 0], sizes = [1, 1000, 128], strides = [1, 1, 1]} : vector<2x1000x128xf32> to vector<1x1000x128xf32>
    %squeeze3A_17 = vector.shape_cast %slice3A_16 : vector<1x1000x128xf32> to vector<1000x128xf32>
    %concatenate3A_18 = tpu.concatenate %squeeze3A_15, %squeeze3A_17 in 1 : vector<1000x128xf32>, vector<1000x128xf32> -> vector<1000x256xf32>
    %add3A = arith.addf %concatenate3A, %concatenate3A_18 : vector<1000x256xf32>
    %mul3A = vector.broadcast %get3A_3 : vector<1000x1xf32> to vector<1000x256xf32>
    %mul3A_19 = arith.mulf %mul3A, %add3A : vector<1000x256xf32>
    %get3A_20 = arith.constant 0 : index
    %get3A_21 = arith.constant 0 : index
    %get3A_22 = vector.load %arg5[%get3A_20, %get3A_21] : memref<1x256xf32, #tpu.memory_space<vmem>>, vector<1x256xf32>
    %add3A_23 = vector.broadcast %get3A_22 : vector<1x256xf32> to vector<1000x256xf32>
    %add3A_24 = arith.addf %mul3A_19, %add3A_23 : vector<1000x256xf32>
    %max3A = arith.constant 0.000000e+00 : f32
    %max3A_25 = vector.broadcast %max3A : f32 to vector<1000x256xf32>
    %max3A_26 = arith.maximumf %add3A_24, %max3A_25 : vector<1000x256xf32>
    %get3A_27 = arith.constant 0 : index
    %get3A_28 = arith.constant 0 : index
    %get3A_29 = arith.constant 0 : index
    %get3A_30 = vector.load %arg4[%get3A_27, %get3A_28, %get3A_29] : memref<1x1x1000xi32, #tpu.memory_space<vmem>>, vector<1x1x1000xi32>
    %squeeze3A_31 = vector.shape_cast %get3A_30 : vector<1x1x1000xi32> to vector<1000xi32>
    %iota3A = tpu.iota {dimensions = array<i32: 1>} : vector<1x64xi32>
    %broadcast_in_dim3A = vector.shape_cast %squeeze3A_31 : vector<1000xi32> to vector<1000x1xi32>
    %eq3A_32 = vector.broadcast %broadcast_in_dim3A : vector<1000x1xi32> to vector<1000x64xi32>
    %eq3A_33 = vector.broadcast %iota3A : vector<1x64xi32> to vector<1000x64xi32>
    %eq3A_34 = arith.cmpi eq, %eq3A_32, %eq3A_33 : vector<1000x64xi32>
    %convert_element_type3A_35 = arith.extui %eq3A_34 : vector<1000x64xi1> to vector<1000x64xi32>
    %convert_element_type3A_36 = arith.sitofp %convert_element_type3A_35 : vector<1000x64xi32> to vector<1000x64xf32>
    %get3A_37 = arith.constant 0 : index
    %get3A_38 = arith.constant 0 : index
    %get3A_39 = vector.load %arg11[%get3A_37, %get3A_38] : memref<64x256xf32, #tpu.memory_space<vmem>>, vector<64x256xf32>
    %dot_general3A = arith.constant dense<0.000000e+00> : vector<64x256xf32>
    %dot_general3A_40 = tpu.matmul %convert_element_type3A_36, %max3A_26, %dot_general3A {dimension_numbers = #tpu.dot_dimension_numbers<[0], [0], [1], [1], [0, 1, 1, 1], [], []>, precision = #tpu.contract_precision<fp32>, transpose_lhs_hint = false} : vector<1000x64xf32>, vector<1000x256xf32>, vector<64x256xf32> -> vector<64x256xf32>
    %add3A_41 = arith.addf %get3A_39, %dot_general3A_40 : vector<64x256xf32>
    %swap3A = arith.constant 0 : index
    %swap3A_42 = arith.constant 0 : index
    %swap3A_43 = vector.load %arg11[%swap3A, %swap3A_42] : memref<64x256xf32, #tpu.memory_space<vmem>>, vector<64x256xf32>
    tpu.vector_store %arg11[%swap3A, %swap3A_42], %add3A_41 {strides = array<i32>} : memref<64x256xf32, #tpu.memory_space<vmem>>, vector<64x256xf32>,
    %broadcast_in_dim3A_44 = arith.constant 1.000000e+00 : f32
    %broadcast_in_dim3A_45 = vector.broadcast %broadcast_in_dim3A_44 : f32 to vector<1000x128xf32>
    %get3A_46 = arith.constant 0 : index
    %get3A_47 = arith.constant 0 : index
    %get3A_48 = vector.load %arg12[%get3A_46, %get3A_47] : memref<64x128xf32, #tpu.memory_space<vmem>>, vector<64x128xf32>
    %dot_general3A_49 = arith.constant dense<0.000000e+00> : vector<64x128xf32>
    %dot_general3A_50 = tpu.matmul %convert_element_type3A_36, %broadcast_in_dim3A_45, %dot_general3A_49 {dimension_numbers = #tpu.dot_dimension_numbers<[0], [0], [1], [1], [0, 1, 1, 1], [], []>, precision = #tpu.contract_precision<fp32>, transpose_lhs_hint = false} : vector<1000x64xf32>, vector<1000x128xf32>, vector<64x128xf32> -> vector<64x128xf32>
    %add3A_51 = arith.addf %get3A_48, %dot_general3A_50 : vector<64x128xf32>
    %swap3A_52 = arith.constant 0 : index
    %swap3A_53 = arith.constant 0 : index
    %swap3A_54 = vector.load %arg12[%swap3A_52, %swap3A_53] : memref<64x128xf32, #tpu.memory_space<vmem>>, vector<64x128xf32>
    tpu.vector_store %arg12[%swap3A_52, %swap3A_53], %add3A_51 {strides = array<i32>} : memref<64x128xf32, #tpu.memory_space<vmem>>, vector<64x128xf32>,
    %eq3A_55 = arith.constant 9 : i32
    %eq3A_56 = arith.cmpi eq, %arg0, %eq3A_55 : i32
    %convert_element_type3A_57 = arith.extui %eq3A_56 : i1 to i32
    %cond3A_58 = arith.constant 0 : i32
    %cond3A_59 = arith.cmpi ne, %convert_element_type3A_57, %cond3A_58 : i32
    scf.if %cond3A_59 {
      %get3A_60 = arith.constant 0 : index
      %get3A_61 = arith.constant 0 : index
      %get3A_62 = vector.load %arg11[%get3A_60, %get3A_61] : memref<64x256xf32, #tpu.memory_space<vmem>>, vector<64x256xf32>
      %get3A_63 = arith.constant 0 : index
      %get3A_64 = arith.constant 0 : index
      %get3A_65 = vector.load %arg12[%get3A_63, %get3A_64] : memref<64x128xf32, #tpu.memory_space<vmem>>, vector<64x128xf32>
      %slice3A_66 = vector.extract_strided_slice %get3A_65 {offsets = [0, 0], sizes = [64, 1], strides = [1, 1]} : vector<64x128xf32> to vector<64x1xf32>
      %max3A_67 = arith.constant 1.000000e+00 : f32
      %max3A_68 = vector.broadcast %max3A_67 : f32 to vector<64x1xf32>
      %max3A_69 = arith.maximumf %slice3A_66, %max3A_68 : vector<64x1xf32>
      %div3A = vector.broadcast %max3A_69 : vector<64x1xf32> to vector<64x256xf32>
      %div3A_70 = arith.divf %get3A_62, %div3A : vector<64x256xf32>
      %convert_element_type3A_71 = arith.truncf %div3A_70 : vector<64x256xf32> to vector<64x256xbf16>
      %convert_element_type3A_72 = arith.extf %convert_element_type3A_71 : vector<64x256xbf16> to vector<64x256xf32>
      %get3A_73 = arith.constant 0 : index
      %get3A_74 = arith.constant 0 : index
      %get3A_75 = vector.load %arg6[%get3A_73, %get3A_74] : memref<128x256xf32, #tpu.memory_space<vmem>>, vector<128x256xf32>
      %convert_element_type3A_76 = arith.truncf %get3A_75 : vector<128x256xf32> to vector<128x256xbf16>
      %convert_element_type3A_77 = arith.extf %convert_element_type3A_76 : vector<128x256xbf16> to vector<128x256xf32>
      %dot_general3A_78 = arith.constant dense<0.000000e+00> : vector<64x128xf32>
      %dot_general3A_79 = tpu.matmul %convert_element_type3A_72, %convert_element_type3A_77, %dot_general3A_78 {dimension_numbers = #tpu.dot_dimension_numbers<[1], [1], [0], [0], [0, 0, 1, 0], [], []>, transpose_lhs_hint = false} : vector<64x256xf32>, vector<128x256xf32>, vector<64x128xf32> -> vector<64x128xf32>
      %get3A_80 = arith.constant 0 : index
      %get3A_81 = arith.constant 0 : index
      %get3A_82 = vector.load %arg7[%get3A_80, %get3A_81] : memref<1x128xf32, #tpu.memory_space<vmem>>, vector<1x128xf32>
      %add3A_83 = vector.broadcast %get3A_82 : vector<1x128xf32> to vector<64x128xf32>
      %add3A_84 = arith.addf %dot_general3A_79, %add3A_83 : vector<64x128xf32>
      %max3A_85 = arith.constant 0.000000e+00 : f32
      %max3A_86 = vector.broadcast %max3A_85 : f32 to vector<64x128xf32>
      %max3A_87 = arith.maximumf %add3A_84, %max3A_86 : vector<64x128xf32>
      %convert_element_type3A_88 = arith.truncf %max3A_87 : vector<64x128xf32> to vector<64x128xbf16>
      %convert_element_type3A_89 = arith.extf %convert_element_type3A_88 : vector<64x128xbf16> to vector<64x128xf32>
      %get3A_90 = arith.constant 0 : index
      %get3A_91 = arith.constant 0 : index
      %get3A_92 = vector.load %arg8[%get3A_90, %get3A_91] : memref<1x128xf32, #tpu.memory_space<vmem>>, vector<1x128xf32>
      %convert_element_type3A_93 = arith.truncf %get3A_92 : vector<1x128xf32> to vector<1x128xbf16>
      %convert_element_type3A_94 = arith.extf %convert_element_type3A_93 : vector<1x128xbf16> to vector<1x128xf32>
      %mul3A_95 = vector.broadcast %convert_element_type3A_94 : vector<1x128xf32> to vector<64x128xf32>
      %mul3A_96 = arith.mulf %convert_element_type3A_89, %mul3A_95 : vector<64x128xf32>
      %reduce_sum3A = arith.constant dense<0.000000e+00> : vector<64xf32>
      %reduce_sum3A_97 = vector.multi_reduction <add>, %mul3A_96, %reduce_sum3A [1] : vector<64x128xf32> to vector<64xf32>
      %broadcast_in_dim3A_98 = vector.shape_cast %reduce_sum3A_97 : vector<64xf32> to vector<64x1xf32>
      %get3A_99 = arith.constant 0 : index
      %get3A_100 = arith.constant 0 : index
      %get3A_101 = vector.load %arg9[%get3A_99, %get3A_100] : memref<1x1xf32, #tpu.memory_space<vmem>>, vector<1x1xf32>
      %add3A_102 = vector.broadcast %get3A_101 : vector<1x1xf32> to vector<64x1xf32>
      %add3A_103 = arith.addf %broadcast_in_dim3A_98, %add3A_102 : vector<64x1xf32>
      %swap3A_104 = arith.constant 0 : index
      %swap3A_105 = arith.constant 0 : index
      %swap3A_106 = vector.load %arg10[%swap3A_104, %swap3A_105] : memref<64x1xf32, #tpu.memory_space<vmem>>, vector<64x1xf32>
      tpu.vector_store %arg10[%swap3A_104, %swap3A_105], %add3A_103 {strides = array<i32>} : memref<64x1xf32, #tpu.memory_space<vmem>>, vector<64x1xf32>,
    } else {
    }
    return
  }
  func.func @transform_0(%arg0: i32) -> (i32, i32, i32) {
    %c0_i32 = arith.constant 0 : i32
    %c0_i32_0 = arith.constant 0 : i32
    %c0_i32_1 = arith.constant 0 : i32
    return %c0_i32, %arg0, %c0_i32_0 : i32, i32, i32
  }
  func.func @transform_1(%arg0: i32) -> (i32, i32, i32) {
    %c0_i32 = arith.constant 0 : i32
    %c0_i32_0 = arith.constant 0 : i32
    %c0_i32_1 = arith.constant 0 : i32
    return %c0_i32, %arg0, %c0_i32_0 : i32, i32, i32
  }
  func.func @transform_2(%arg0: i32) -> (i32, i32) {
    %c0_i32 = arith.constant 0 : i32
    %c0_i32_0 = arith.constant 0 : i32
    return %arg0, %c0_i32 : i32, i32
  }
  func.func @transform_3(%arg0: i32) -> (i32, i32, i32) {
    %c0_i32 = arith.constant 0 : i32
    %c0_i32_0 = arith.constant 0 : i32
    %c0_i32_1 = arith.constant 0 : i32
    return %arg0, %c0_i32, %c0_i32_0 : i32, i32, i32
  }
  func.func @transform_4(%arg0: i32) -> (i32, i32) {
    %c0_i32 = arith.constant 0 : i32
    %c0_i32_0 = arith.constant 0 : i32
    %c0_i32_1 = arith.constant 0 : i32
    return %c0_i32, %c0_i32_0 : i32, i32
  }
  func.func @transform_5(%arg0: i32) -> (i32, i32) {
    %c0_i32 = arith.constant 0 : i32
    %c0_i32_0 = arith.constant 0 : i32
    %c0_i32_1 = arith.constant 0 : i32
    return %c0_i32, %c0_i32_0 : i32, i32
  }
  func.func @transform_6(%arg0: i32) -> (i32, i32) {
    %c0_i32 = arith.constant 0 : i32
    %c0_i32_0 = arith.constant 0 : i32
    %c0_i32_1 = arith.constant 0 : i32
    return %c0_i32, %c0_i32_0 : i32, i32
  }
  func.func @transform_7(%arg0: i32) -> (i32, i32) {
    %c0_i32 = arith.constant 0 : i32
    %c0_i32_0 = arith.constant 0 : i32
    %c0_i32_1 = arith.constant 0 : i32
    return %c0_i32, %c0_i32_0 : i32, i32
  }
  func.func @transform_8(%arg0: i32) -> (i32, i32) {
    %c0_i32 = arith.constant 0 : i32
    %c0_i32_0 = arith.constant 0 : i32
    %c0_i32_1 = arith.constant 0 : i32
    return %c0_i32, %c0_i32_0 : i32, i32
  }
  func.func @transform_9(%arg0: i32) -> (i32, i32) {
    %c0_i32 = arith.constant 0 : i32
    %c0_i32_0 = arith.constant 0 : i32
    %c0_i32_1 = arith.constant 0 : i32
    return %c0_i32, %c0_i32_0 : i32, i32
  }
}

</mosaic_0001>

<sc_bundles>
// kernel: kernel.11.cloned.1.call-start
scs
__scs_entry_jumppad:
0x0: {  	(pc) =	sbr.rel $0x88, $3  }
0x1: {  	(tag) =	ssettag $0x0;
	lr =	simm.s32 $0x1  }
0x2: {  	[smem:$0x3F96] =	sst lr;
	_ =	strace $0xD0000000  }
0x3: {  	_ = 	snop  }
0x4: {  	_ = 	snop  }
0x5: {  	_ = 	snop  }
0x6: {  	_ = 	snop  }
0x7: {  	_ = 	snop  }
__scs_overlays_trampoline_lowered:
0x8: {  	[smem:$0x3FA5] =	sst s0  }
0x9: {  	[smem:$0x3FA6] =	sst s1  }
0xa: {  	[smem:$0x3FA7] =	sst s2  }
0xb: {  	[smem:$0x3FA8] =	sst s3  }
0xc: {  	[smem:$0x3FA9] =	sst s4  }
0xd: {  	[smem:$0x3FAA] =	sst s5  }
0xe: {  	[smem:$0x3FAB] =	sst s6  }
0xf: {  	[smem:$0x3FAC] =	sst s7  }
0x10: {  	[smem:$0x3FAD] =	sst s8  }
0x11: {  	[smem:$0x3FAE] =	sst s9;
	s0 =	simm.s32 @!p0 $0x0  }
0x12: {  	s1 =	sld [smem:$0x3F94];
	s0 =	simm.s32 @p0 $0x1  }
0x13: {  	[smem:$0x3FAF] =	sst s0;
	s0 =	simm.s32 @!p1 $0x0  }
0x14: {  	s2 =	sld [smem:$0x3F93];
	s0 =	simm.s32 @p1 $0x1  }
0x15: {  	[smem:$0x3FB0] =	sst s0;
	s0 =	simm.s32 @!p2 $0x0  }
0x16: {  	s3 =	sld [smem:$0x3FDB];
	s0 =	simm.s32 @p2 $0x1  }
0x17: {  	s4 =	simm.s32 $0x1BF5;
	[smem:$0x3FB2] =	sst s0  }
0x18: {  	s0 =	sld [smem:$0x3F95];
	_ =	swait.ge [sflag:s4], $0x0  }
0x19: {  	s7 =	sld [smem:$0x3F96]  }
0x1a: {  	s8 =	sadd.s32 $0xFFFFE003, lr  }
0x1b: {  	s9 =	sadd.s32 $0xFFFFFEF7, lr;
	s5 =	simm.s32 $0xFFFFFFFF;
	p2 =	slt.u32 s8, $0xFFFFF086  }
0x1c: {  	p1 =	slt.u32 s9, $0xF7A;
	s5 =	simm.s32 @!p2 $0x0  }
0x1d: {  	s5 =	simm.s32 @p1 $0x1;
	p0 =	seq.s32 s7, s2  }
0x1e: {  	s7 =	smul.u32 @!p0 $0xF7A, s2;
	p2 =	seq.s32 @!p0 s5, $0x0  }
0x1f: {  	s9 =	smul.u32 $0xF7A, s1;
	s8 =	simm.s32 @!p0 $0x1BF5;
	p2 =	por !p2, p0  }
0x20: {  	[sflag:s8] =	ssyncset.s32 @!p0 $0xFFFFF086;
	s6 =	sadd.s32 @!p0 s3, s7;
	s7 =	simm.s32 @!p0 $0x108  }
0x21: {  	s3 =	sadd.s32 s3, s9;
	s6 =	sadd.s32 @!p0 $0x88, s6;
	s7 =	simm.s32 @p2 $0x1082  }
0x22: {  	[simem:s7], [sflag:s8] =	dma.local @!p0 [hbm:s6], $0xF7A  }
0x23: {  	s9 =	sor.u32 $0xD0000000, s2;
	s6 =	simm.s32 $0x108;
	_ =	swait.ge @!p0 [sflag:s8], $0x0  }
0x24: {  	s3 =	sadd.s32 $0x88, s3;
	s6 =	simm.s32 @!p1 $0x1082;
	[sflag:s4] =	ssyncset.s32 $0xFFFFF086  }
0x25: {  	[simem:s6], [sflag:s4] =	dma.local [hbm:s3], $0xF7A  }
0x26: {  	[smem:$0x3F96] =	sst s1;
	(tag) =	ssettag s2;
	_ =	strace s9  }
0x27: {  	s1 =	sld [smem:$0x3FA6]  }
0x28: {  	s2 =	sld [smem:$0x3FA7]  }
0x29: {  	s4 =	sld [smem:$0x3FA9]  }
0x2a: {  	p0 =	seq.s32 s5, $0x0;
	s5 =	sld [smem:$0x3FAA]  }
0x2b: {  	s6 =	sld [smem:$0x3FAB]  }
0x2c: {  	s7 =	sld [smem:$0x3FAC]  }
0x2d: {  	s3 =	simm.s32 $0x108;
	s8 =	sld [smem:$0x3FAD]  }
0x2e: {  	s3 =	simm.s32 @!p0 $0x1082;
	s9 =	sld [smem:$0x3FAE]  }
0x2f: {  	lr =	sadd.s32 s0, s3;
	s0 =	sld [smem:$0x3FA5]  }
0x30: {  	s3 =	sld [smem:$0x3FA8]  }
0x31: {  	[smem:$0x3FB1] =	sst s10  }
0x32: {  	s10 =	sld [smem:$0x3FAF];
	_ =	sdelay $0x3  }
0x33: {  	p0 =	seq.s32 s10, $0x1;
	s10 =	sld [smem:$0x3FB1];
	_ =	sdelay $0x3  }
0x34: {  	[smem:$0x3FB1] =	sst s10  }
0x35: {  	s10 =	sld [smem:$0x3FB0];
	_ =	sdelay $0x3  }
0x36: {  	p1 =	seq.s32 s10, $0x1;
	s10 =	sld [smem:$0x3FB1];
	_ =	sdelay $0x3  }
0x37: {  	[smem:$0x3FB1] =	sst s10  }
0x38: {  	s10 =	sld [smem:$0x3FB2]  }
0x39: {  	_ = 	snop;
	(pc) =	sbr.ind lr, $3  }
0x3a: {  	_ = 	snop  }
0x3b: {  	_ = 	snop  }
0x3c: {  	p2 =	seq.s32 s10, $0x1;
	s10 =	sld [smem:$0x3FB1]  }
0x3d: {  	_ =	shalt  }
0x3e: {  	_ =	shalt  }
0x3f: {  	_ =	shalt  }
0x40: {  	_ =	shalt  }
0x41: {  	_ =	shalt  }
0x42: {  	_ =	shalt  }
0x43: {  	_ =	shalt  }
0x44: {  	_ =	shalt  }
0x45: {  	_ =	shalt  }
0x46: {  	_ =	shalt  }
0x47: {  	_ =	shalt  }
0x48: {  	_ =	shalt  }
0x49: {  	_ =	shalt  }
0x4a: {  	_ =	shalt  }
0x4b: {  	_ =	shalt  }
0x4c: {  	_ =	shalt  }
0x4d: {  	_ =	shalt  }
0x4e: {  	_ =	shalt  }
0x4f: {  	_ =	shalt  }
0x50: {  	_ =	shalt  }
0x51: {  	_ =	shalt  }
0x52: {  	_ =	shalt  }
0x53: {  	_ =	shalt  }
0x54: {  	_ =	shalt  }
0x55: {  	_ =	shalt  }
0x56: {  	_ =	shalt  }
0x57: {  	_ =	shalt  }
0x58: {  	_ =	shalt  }
0x59: {  	_ =	shalt  }
0x5a: {  	_ =	shalt  }
0x5b: {  	_ =	shalt  }
0x5c: {  	_ =	shalt  }
0x5d: {  	_ =	shalt  }
0x5e: {  	_ =	shalt  }
0x5f: {  	_ =	shalt  }
0x60: {  	_ =	shalt  }
0x61: {  	_ =	shalt  }
0x62: {  	_ =	shalt  }
0x63: {  	_ =	shalt  }
0x64: {  	_ =	shalt  }
0x65: {  	_ =	shalt  }
0x66: {  	_ =	shalt  }
0x67: {  	_ =	shalt  }
0x68: {  	_ =	shalt  }
0x69: {  	_ =	shalt  }
0x6a: {  	_ =	shalt  }
0x6b: {  	_ =	shalt  }
0x6c: {  	_ =	shalt  }
0x6d: {  	_ =	shalt  }
0x6e: {  	_ =	shalt  }
0x6f: {  	_ =	shalt  }
0x70: {  	_ =	shalt  }
0x71: {  	_ =	shalt  }
0x72: {  	_ =	shalt  }
0x73: {  	_ =	shalt  }
0x74: {  	_ =	shalt  }
0x75: {  	_ =	shalt  }
0x76: {  	_ =	shalt  }
0x77: {  	_ =	shalt  }
0x78: {  	_ =	shalt  }
0x79: {  	_ =	shalt  }
0x7a: {  	_ =	shalt  }
0x7b: {  	_ =	shalt  }
0x7c: {  	_ =	shalt  }
0x7d: {  	_ =	shalt  }
0x7e: {  	_ =	shalt  }
0x7f: {  	_ =	shalt  }
0x80: {  	_ =	shalt  }
0x81: {  	_ =	shalt  }
0x82: {  	_ =	shalt  }
0x83: {  	_ =	shalt  }
0x84: {  	_ =	shalt  }
0x85: {  	_ =	shalt  }
0x86: {  	_ =	shalt  }
0x87: {  	_ =	shalt  }
.Lfunc_end0:
.L_simem_size_0:
called_computation.1_lowered:
.L_overlay_start_0:
0x88: {  	s2 =	sld [smem:$0x3FD9]  }
0x89: {  	s3 =	sld [smem:$0x3FFE];
	_ =	sdelay $0x1  }
0x8a: {  	s1 =	srdreg.scid  }
0x8b: {  	s0 =	sand.u32 $0x1, s1  }
0x8c: {  	s16 =	sshll.u32 s0, $0xA;
	s2 =	sadd.s32 s3, s2  }
0x8d: {  	s2 =	sadd.s32 s2, s16  }
0x8e: {  	[smem:$0x3FBD] =	sst s2  }
0x8f: {  	_ = 	snop  }
0x90: {  	(tm) =	ssettm $0x1  }
0x91: {  	s17 =	sld [smem:$0x3FFB];
	_ =	sdelay $0x3  }
0x92: {  	_ =	strace s17  }
0x93: {  	s2 =	sld [smem:$0x3FFC];
	_ =	sdelay $0x3  }
0x94: {  	_ =	strace s2  }
0x95: {  	s2 =	sld [smem:$0x3FFD];
	_ =	sdelay $0x3  }
0x96: {  	_ =	strace s2  }
0x97: {  	_ =	strace $0x8FFFFFFF  }
0x98: {  	s18 =	sld [smem:$0x3FDB];
	_ =	sdelay $0x1  }
0x99: {  	s19 =	simm.s32 $_scs_section_size  }
0x9a: {  	s4 =	simm.s32 $_size__tile_overlayer_lowered;
	s5 =	simm.s32 $_tile_overlayer_lowered  }
0x9b: {  	s22 =	simm.s32 $0x1BFF;
	s21 =	sshll.u32 s5, $0x1;
	s2 =	sadd.s32 s19, s18  }
0x9c: {  	s6 =	simm.s32 $0x0;
	s20 =	sshll.u32 s4, $0x1;
	s4 =	sadd.s32 s21, s2  }
0x9d: {  	[timem:s6], [sflag:s22] =	dma.local [hbm:s4], s20  }
0x9e: {  	_ =	swait.ge [sflag:s22], s20  }
0x9f: {  	s3 =	ssub.s32 $0x0, s20;
	[sflag:s22] =	ssyncset.done $0x0  }
0xa0: {  	[sflag:s22] =	ssyncadd.s32 s3;
	_ =	sdelay $0x1  }
0xa1: {  	s23 =	simm.s32 $0x1B8B  }
0xa2: {  	_ =	swait.ge [sflag:s23], $0x1  }
0xa3: {  	[sflag:s23] =	ssyncset.done $0x0  }
0xa4: {  	s25 =	simm.s32 $0x1B8E;
	s24 =	sld [smem:$0x3FFE];
	[sflag:s23] =	ssyncadd.s32 $0xFFFFFFFF  }
0xa5: {  	s26 =	simm.s32 $execute0_lowered;
	[smem:$0x3FD2] =	sst s25  }
0xa6: {  	s4 =	sshll.u32 s26, $0x1;
	_ =	strace $0x80000049;
	[dreg:$0x1] =	wrdreg $0xFFFFFFFF  }
0xa7: {  	s28 =	simm.s32 $_size_execute0_lowered;
	s2 =	sadd.s32 s2, s4;
	[dreg:$0x0] =	wrdreg $0x0  }
0xa8: {  	s4 =	sshll.u32 s28, $0x1;
	[dreg:$0x2] =	wrdreg s2  }
0xa9: {  	[dreg:$0x3] =	wrdreg s4  }
0xaa: {  	[dreg:$0x4] =	wrdreg $0xC0  }
0xab: {  	_ =	task [dreg:s6], $0x5FFFF  }
0xac: {  	[dreg:$0x1] =	wrdreg $0xFFFFFFFF  }
0xad: {  	[dreg:$0x0] =	wrdreg $0x60  }
0xae: {  	[dreg:$0x2] =	wrdreg s24  }
0xaf: {  	[dreg:$0x3] =	wrdreg $0xA8000  }
0xb0: {  	[dreg:$0x4] =	wrdreg $0x9  }
0xb1: {  	_ =	task.clear_ibuf [dreg:s6], $0x5FFFF;
	_ =	strace $0x90000049  }
0xb2: {  	s29 =	simm.s32 $0x9;
	_ =	strace $0x8000004B  }
0xb3: {  	_ =	swait.ge [sflag:s29], $0x1  }
0xb4: {  	[sflag:s29] =	ssyncadd.s32 $0xFFFFFFFF  }
0xb5: {  	_ =	strace $0x9000004B  }
0xb6: {  	_ =	sfence  }
0xb7: {  	s30 =	sld [smem:$0x0];
	_ =	sdelay $0x2  }
0xb8: {  	s31 =	sshll.u32 s1, $0xD;
	s1 =	sshrl.u32 s1, $0x2  }
0xb9: {  	s3 =	sand.u32 $0x4000, s31;
	s1 =	sadd.s32 s1, s30  }
0xba: {  	s0 =	sor.u32 s3, s0;
	s1 =	sshll.u32 s1, $0x11  }
0xbb: {  	s0 =	sor.u32 s1, s0  }
0xbc: {  	s0 =	sadd.s32 $0x8F2B, s0  }
0xbd: {  	[sflag:s0] =	ssyncadd.remote.s32 $0x1  }
0xbe: {  	_ =	sfence.sel $0xFFFF  }
0xbf: {  	[dreg:$0x0] =	wrdreg $0xFFFFFFFF;
	(pc) =	sbr.abs _section_cstart, $3  }
0xc0: {  	[dreg:$0x1] =	wrdreg $0xFFFFFFFF  }
0xc1: {  	_ =	task.clear_ibuf [dreg:s6], $0x2FFFF;
	_ =	strace $0x9FFFFFFF  }
0xc2: {  	(tm) =	ssettm $0x7FFFFFFF  }
0xc3: {  	_ =	shalt  }
tec
execute0_lowered:
.L_overlay_start_1:
0x0: {  	(tag) =	ssettag $0x1  }
0x1: {  	s6 =	rddreg [dreg:$0x0]  }
0x2: {  	s1 =	rddreg [dreg:$0x1];
	s2 =	srdreg.scid  }
0x3: {  	s0 =	rddreg [dreg:$0x2];
	s3 =	simm.s32 $0x0;
	s16 =	simm.s32 $0x7D  }
0x4: {  	s17 =	simm.s32 $0x2800;
	s18 =	simm.s32 $0x1;
	s19 =	simm.s32 $0x6800  }
0x5: {  	s20 =	simm.s32 $0x2;
	s21 =	simm.s32 $0x1380;
	s22 =	simm.s32 $0x2700  }
0x6: {  	s23 =	simm.s32 $0x2780;
	s24 =	simm.s32 $0x0;
	s7 =	sand.u32 $0x1, s2  }
0x7: {  	s2 =	stileid.u32;
	[smem:$0x7FF] =	sst s3;
	s11 =	sadd.s32 $0x5FE00, s6  }
0x8: {  	s12 =	sadd.s32 $0x2E00, s6;
	s4 =	sadd.s32 $0xF600, s6;
	s5 =	smul.u32 $0x140000, s7  }
0x9: {  	s8 =	smul.u32 $0x14000, s2;
	_ =	strace $0x8000004A;
	s9 =	ssub.s32 $0x2, s7  }
0xa: {  	s7 =	sshll.u32 s7, $0x4;
	s13 =	smul.u32 $0x50000, s2;
	s30 =	sshll.u32 s2, $0x6  }
0xb: {  	s10 =	sshrl.u32 s9, $0x1;
	s28 =	sor.u32 s2, s7;
	s8 =	sadd.s32 s8, s5  }
0xc: {  	s5 =	sadd.s32 $0xCE00, s6;
	s29 =	sshrl.u32 s13, $0x2;
	s31 =	smul.u32 $0x500, s28  }
0xd: {  	s9 =	ssub.s32 s9, s10;
	s8 =	sshrl.u32 s8, $0x3;
	s14 =	sadd.s32 s29, s1  }
0xe: {  	s8 =	sadd.s32 s8, s6;
	s6 =	sor.u32 $0x1C03, s30;
	s15 =	sadd.s32 $0x280, s31  }
0xf: {  	s10 =	sadd.s32 s12, s31;
	s13 =	sshrl.u32 s14, $0x3;
	s14 =	simm.s32 $0x3  }
0x10: {  	s7 =	sadd.s32 $0x69E00, s8;
	s8 =	smax.u32 s9, $0x1;
	s9 =	sadd.s32 s11, s31  }
0x11: {  	s11 =	sadd.s32 s11, s15;
	s12 =	sadd.s32 s12, s15;
	s15 =	simm.s32 $0x1400  }
.LBB2_1:
0x12: {  	[spmem:s13], [sflag:s6] =	dma.local [hbm:s5], $0x2800  }
0x13: {  	_ =	swait.ge [sflag:s14], $0x2800  }
0x14: {  	[sflag:s14] =	ssyncset.done $0x0  }
0x15: {  	[sflag:s14] =	ssyncadd.s32 $0xFFFFD800  }
0x16: {  	[bflag:$0x0] =	sbarrier.arrive $0xFFFF  }
0x17: {  	[tilespmem:s3], [sflag:$0x3] =	stream.linear.gather [hbm4b:s9+s3], $0x1400, $0x38;
	[tilespmem:$0x1E800] =	vst v63  }
0x18: {  	_ =	swait.ge [sflag:s14], $0x1400  }
0x19: {  	[sflag:s14] =	ssyncset.done $0x0  }
0x1a: {  	[sflag:s14] =	ssyncadd.s32 $0xFFFFEC00  }
0x1b: {  	[tilespmem:s15], [sflag:$0x3] =	stream.linear.gather [hbm4b:s10+s3], $0x1400, $0x38;
	[tilespmem:$0x1E800] =	vst v63  }
0x1c: {  	_ =	swait.ge [sflag:s14], $0x1400  }
0x1d: {  	[sflag:s14] =	ssyncset.done $0x0  }
0x1e: {  	[sflag:s14] =	ssyncadd.s32 $0xFFFFEC00  }
0x1f: {  	[tilespmem:s17], [sflag:$0x1] =	stream.indirect.gather [hbm4b:s4+s16], $0x80, s3, s16, $0xb8;
	[tilespmem:$0x1E800] =	vst v63  }
0x20: {  	_ =	swait.ge [sflag:s18], $0x3E80  }
0x21: {  	[sflag:s18] =	ssyncset.done $0x0  }
0x22: {  	s25 =	simm.s32 $0x80;
	[sflag:s18] =	ssyncadd.s32 $0xFFFFC180  }
0x23: {  	[tilespmem:s19], [sflag:$0x2] =	stream.indirect.gather [hbm4b:s4+s16], $0x80, s25, s16, $0xb8;
	[tilespmem:$0x1E800] =	vst v63  }
0x24: {  	s29 =	simm.s32 $0x1400  }
0x25: {  	[spmem:s1] =	stream.indirect.scatter.add.f32 [tilespmem:s17], [sflag:$0x3], $0x80, s29, s16, $0xb8;
	[tilespmem:$0x1E800] =	vst v63  }
0x26: {  	_ =	swait.ge [sflag:s14], $0x3E80  }
0x27: {  	[sflag:s14] =	ssyncset.done $0x0  }
0x28: {  	[sflag:s14] =	ssyncadd.s32 $0xFFFFC180  }
0x29: {  	_ =	swait.ge [sflag:s20], $0x3E80  }
0x2a: {  	[sflag:s20] =	ssyncset.done $0x0  }
0x2b: {  	s30 =	simm.s32 $0x100;
	[sflag:s20] =	ssyncadd.s32 $0xFFFFC180  }
0x2c: {  	[tilespmem:s17], [sflag:$0x1] =	stream.indirect.gather [hbm4b:s4+s16], $0x80, s30, s16, $0xb8;
	[tilespmem:$0x1E800] =	vst v63  }
0x2d: {  	s31 =	simm.s32 $0x1480  }
0x2e: {  	[spmem:s1] =	stream.indirect.scatter.add.f32 [tilespmem:s19], [sflag:$0x3], $0x80, s31, s16, $0xb8;
	[tilespmem:$0x1E800] =	vst v63  }
0x2f: {  	_ =	swait.ge [sflag:s14], $0x3E80  }
0x30: {  	s25 =	simm.s32 $0x400;
	[sflag:s14] =	ssyncset.done $0x0  }
.LBB2_2:
0x31: {  	p0 =	sne.s32 s25, $0x4800  }
0x32: {  	[sflag:s14] =	ssyncadd.s32 $0xFFFFC180;
	s26 =	smov.u32 s25;
	s25 =	sadd.s32 $0x400, s25  }
0x33: {  	_ = 	snop  }
0x34: {  	_ =	swait.ge [sflag:s18], $0x3E80  }
0x35: {  	s26 =	sshra.s32 s26, $0x2;
	[sflag:s18] =	ssyncset.done $0x0  }
0x36: {  	s28 =	sadd.s32 $0x80, s26;
	[sflag:s18] =	ssyncadd.s32 $0xFFFFC180  }
0x37: {  	[tilespmem:s19], [sflag:$0x2] =	stream.indirect.gather [hbm4b:s4+s16], $0x80, s28, s16, $0xb8;
	[tilespmem:$0x1E800] =	vst v63  }
0x38: {  	s28 =	sadd.s32 $0x1400, s26  }
0x39: {  	[spmem:s1] =	stream.indirect.scatter.add.f32 [tilespmem:s17], [sflag:$0x3], $0x80, s28, s16, $0xb8;
	[tilespmem:$0x1E800] =	vst v63  }
0x3a: {  	_ =	swait.ge [sflag:s14], $0x3E80  }
0x3b: {  	[sflag:s14] =	ssyncset.done $0x0  }
0x3c: {  	[sflag:s14] =	ssyncadd.s32 $0xFFFFC180  }
0x3d: {  	_ =	swait.ge [sflag:s20], $0x3E80  }
0x3e: {  	[sflag:s20] =	ssyncset.done $0x0  }
0x3f: {  	s28 =	sadd.s32 $0x100, s26;
	[sflag:s20] =	ssyncadd.s32 $0xFFFFC180  }
0x40: {  	[tilespmem:s17], [sflag:$0x1] =	stream.indirect.gather [hbm4b:s4+s16], $0x80, s28, s16, $0xb8;
	[tilespmem:$0x1E800] =	vst v63  }
.Ltmp0:
0x41: {  	_ = 	snop;
	(pc) =	sbr.rel @p0 .LBB2_2-.Ltmp0, $4  }
0x42: {  	s26 =	sadd.s32 $0x1480, s26  }
0x43: {  	[spmem:s1] =	stream.indirect.scatter.add.f32 [tilespmem:s19], [sflag:$0x3], $0x80, s26, s16, $0xb8;
	[tilespmem:$0x1E800] =	vst v63  }
0x44: {  	_ =	swait.ge [sflag:s14], $0x3E80  }
0x45: {  	[sflag:s14] =	ssyncset.done $0x0  }
0x46: {  	[sflag:s14] =	ssyncadd.s32 $0xFFFFC180  }
0x47: {  	_ =	swait.ge [sflag:s18], $0x3E80  }
0x48: {  	[sflag:s18] =	ssyncset.done $0x0  }
0x49: {  	[sflag:s18] =	ssyncadd.s32 $0xFFFFC180  }
0x4a: {  	[tilespmem:s19], [sflag:$0x2] =	stream.indirect.gather [hbm4b:s4+s16], $0x80, s21, s16, $0xb8;
	[tilespmem:$0x1E800] =	vst v63  }
0x4b: {  	_ = 	snop  }
0x4c: {  	[spmem:s1] =	stream.indirect.scatter.add.f32 [tilespmem:s17], [sflag:$0x3], $0x80, s22, s16, $0xb8;
	[tilespmem:$0x1E800] =	vst v63  }
0x4d: {  	_ =	swait.ge [sflag:s14], $0x3E80  }
0x4e: {  	[sflag:s14] =	ssyncset.done $0x0  }
0x4f: {  	[sflag:s14] =	ssyncadd.s32 $0xFFFFC180  }
0x50: {  	_ =	swait.ge [sflag:s20], $0x3E80  }
0x51: {  	[sflag:s20] =	ssyncset.done $0x0  }
0x52: {  	[sflag:s20] =	ssyncadd.s32 $0xFFFFC180  }
0x53: {  	[spmem:s1] =	stream.indirect.scatter.add.f32 [tilespmem:s19], [sflag:$0x3], $0x80, s23, s16, $0xb8;
	[tilespmem:$0x1E800] =	vst v63  }
0x54: {  	_ =	swait.ge [sflag:s14], $0x3E80  }
0x55: {  	[sflag:s14] =	ssyncset.done $0x0  }
0x56: {  	s25 =	simm.s32 $0x0;
	[sflag:s14] =	ssyncadd.s32 $0xFFFFC180  }
0x57: {  	[tilespmem:s25], [sflag:$0x3] =	stream.linear.gather [hbm4b:s11+s25], $0x1400, $0x38;
	[tilespmem:$0x1E800] =	vst v63  }
0x58: {  	_ =	swait.ge [sflag:s14], $0x1400  }
0x59: {  	[sflag:s14] =	ssyncset.done $0x0  }
0x5a: {  	[sflag:s14] =	ssyncadd.s32 $0xFFFFEC00  }
0x5b: {  	[tilespmem:s15], [sflag:$0x3] =	stream.linear.gather [hbm4b:s12+s25], $0x1400, $0x38;
	[tilespmem:$0x1E800] =	vst v63  }
0x5c: {  	_ =	swait.ge [sflag:s14], $0x1400  }
0x5d: {  	[sflag:s14] =	ssyncset.done $0x0  }
0x5e: {  	[sflag:s14] =	ssyncadd.s32 $0xFFFFEC00  }
0x5f: {  	[tilespmem:s17], [sflag:$0x1] =	stream.indirect.gather [hbm4b:s4+s16], $0x80, s25, s16, $0xb8;
	[tilespmem:$0x1E800] =	vst v63  }
0x60: {  	_ =	swait.ge [sflag:s18], $0x3E80  }
0x61: {  	[sflag:s18] =	ssyncset.done $0x0  }
0x62: {  	s28 =	simm.s32 $0x80;
	[sflag:s18] =	ssyncadd.s32 $0xFFFFC180  }
0x63: {  	[tilespmem:s19], [sflag:$0x2] =	stream.indirect.gather [hbm4b:s4+s16], $0x80, s28, s16, $0xb8;
	[tilespmem:$0x1E800] =	vst v63  }
0x64: {  	s29 =	simm.s32 $0x1400  }
0x65: {  	[spmem:s1] =	stream.indirect.scatter.add.f32 [tilespmem:s17], [sflag:$0x3], $0x80, s29, s16, $0xb8;
	[tilespmem:$0x1E800] =	vst v63  }
0x66: {  	_ =	swait.ge [sflag:s14], $0x3E80  }
0x67: {  	[sflag:s14] =	ssyncset.done $0x0  }
0x68: {  	[sflag:s14] =	ssyncadd.s32 $0xFFFFC180  }
0x69: {  	_ =	swait.ge [sflag:s20], $0x3E80  }
0x6a: {  	[sflag:s20] =	ssyncset.done $0x0  }
0x6b: {  	s30 =	simm.s32 $0x100;
	[sflag:s20] =	ssyncadd.s32 $0xFFFFC180  }
0x6c: {  	[tilespmem:s17], [sflag:$0x1] =	stream.indirect.gather [hbm4b:s4+s16], $0x80, s30, s16, $0xb8;
	[tilespmem:$0x1E800] =	vst v63  }
0x6d: {  	s31 =	simm.s32 $0x1480  }
0x6e: {  	[spmem:s1] =	stream.indirect.scatter.add.f32 [tilespmem:s19], [sflag:$0x3], $0x80, s31, s16, $0xb8;
	[tilespmem:$0x1E800] =	vst v63  }
0x6f: {  	_ =	swait.ge [sflag:s14], $0x3E80  }
0x70: {  	s25 =	simm.s32 $0x400;
	[sflag:s14] =	ssyncset.done $0x0  }
.LBB2_4:
0x71: {  	p0 =	sne.s32 s25, $0x4800  }
0x72: {  	[sflag:s14] =	ssyncadd.s32 $0xFFFFC180;
	s26 =	smov.u32 s25;
	s25 =	sadd.s32 $0x400, s25  }
0x73: {  	_ = 	snop  }
0x74: {  	_ =	swait.ge [sflag:s18], $0x3E80  }
0x75: {  	s26 =	sshra.s32 s26, $0x2;
	[sflag:s18] =	ssyncset.done $0x0  }
0x76: {  	s28 =	sadd.s32 $0x80, s26;
	[sflag:s18] =	ssyncadd.s32 $0xFFFFC180  }
0x77: {  	[tilespmem:s19], [sflag:$0x2] =	stream.indirect.gather [hbm4b:s4+s16], $0x80, s28, s16, $0xb8;
	[tilespmem:$0x1E800] =	vst v63  }
0x78: {  	s28 =	sadd.s32 $0x1400, s26  }
0x79: {  	[spmem:s1] =	stream.indirect.scatter.add.f32 [tilespmem:s17], [sflag:$0x3], $0x80, s28, s16, $0xb8;
	[tilespmem:$0x1E800] =	vst v63  }
0x7a: {  	_ =	swait.ge [sflag:s14], $0x3E80  }
0x7b: {  	[sflag:s14] =	ssyncset.done $0x0  }
0x7c: {  	[sflag:s14] =	ssyncadd.s32 $0xFFFFC180  }
0x7d: {  	_ =	swait.ge [sflag:s20], $0x3E80  }
0x7e: {  	[sflag:s20] =	ssyncset.done $0x0  }
0x7f: {  	s28 =	sadd.s32 $0x100, s26;
	[sflag:s20] =	ssyncadd.s32 $0xFFFFC180  }
0x80: {  	[tilespmem:s17], [sflag:$0x1] =	stream.indirect.gather [hbm4b:s4+s16], $0x80, s28, s16, $0xb8;
	[tilespmem:$0x1E800] =	vst v63  }
.Ltmp1:
0x81: {  	_ = 	snop;
	(pc) =	sbr.rel @p0 .LBB2_4-.Ltmp1, $4  }
0x82: {  	s26 =	sadd.s32 $0x1480, s26  }
0x83: {  	[spmem:s1] =	stream.indirect.scatter.add.f32 [tilespmem:s19], [sflag:$0x3], $0x80, s26, s16, $0xb8;
	[tilespmem:$0x1E800] =	vst v63  }
0x84: {  	_ =	swait.ge [sflag:s14], $0x3E80  }
0x85: {  	[sflag:s14] =	ssyncset.done $0x0  }
0x86: {  	[sflag:s14] =	ssyncadd.s32 $0xFFFFC180  }
0x87: {  	_ =	swait.ge [sflag:s18], $0x3E80  }
0x88: {  	[sflag:s18] =	ssyncset.done $0x0  }
0x89: {  	[sflag:s18] =	ssyncadd.s32 $0xFFFFC180  }
0x8a: {  	[tilespmem:s19], [sflag:$0x2] =	stream.indirect.gather [hbm4b:s4+s16], $0x80, s21, s16, $0xb8;
	[tilespmem:$0x1E800] =	vst v63  }
0x8b: {  	_ = 	snop  }
0x8c: {  	[spmem:s1] =	stream.indirect.scatter.add.f32 [tilespmem:s17], [sflag:$0x3], $0x80, s22, s16, $0xb8;
	[tilespmem:$0x1E800] =	vst v63  }
0x8d: {  	_ =	swait.ge [sflag:s14], $0x3E80  }
0x8e: {  	[sflag:s14] =	ssyncset.done $0x0  }
0x8f: {  	[sflag:s14] =	ssyncadd.s32 $0xFFFFC180  }
0x90: {  	_ =	swait.ge [sflag:s20], $0x3E80  }
0x91: {  	[sflag:s20] =	ssyncset.done $0x0  }
0x92: {  	[sflag:s20] =	ssyncadd.s32 $0xFFFFC180  }
0x93: {  	[spmem:s1] =	stream.indirect.scatter.add.f32 [tilespmem:s19], [sflag:$0x3], $0x80, s23, s16, $0xb8;
	[tilespmem:$0x1E800] =	vst v63  }
0x94: {  	_ =	swait.ge [sflag:s14], $0x3E80  }
0x95: {  	s24 =	sadd.s32 $0x1, s24;
	[sflag:s14] =	ssyncset.done $0x0  }
0x96: {  	p0 =	sne.s32 s24, s8;
	[sflag:s14] =	ssyncadd.s32 $0xFFFFC180  }
.Ltmp2:
0x97: {  	[bflag:$0x0] =	sbarrier.arrive $0xFFFF;
	(pc) =	sbr.rel @p0 .LBB2_1-.Ltmp2, $4  }
0x98: {  	[hbm:s7], [sflag:s6] =	dma.local [spmem:s13], $0x2800  }
0x99: {  	_ =	swait.ge [sflag:s14], $0x2800  }
0x9a: {  	[sflag:s14] =	ssyncset.done $0x0  }
0x9b: {  	[sflag:s14] =	ssyncadd.s32 $0xFFFFD800  }
0x9c: {  	_ =	sfence.sel $0x180000  }
0x9d: {  	[bflag:$0x0] =	sbarrier.arrive $0xFFFF  }
0x9e: {  	p0 =	sne.s32 s2, $0x0;
	_ =	strace $0x9000004A  }
0x9f: {  	s0 =	sadd.s32 @!p0 $0x100000, s0;
	[bflag:$0x2] =	sbarrier.arrive $0xFFFF  }
0xa0: {  	[sflag:s0] =	ssyncadd.tile.s32 @!p0 $0x1;
	_ =	shalt  }
.Lfunc_end2:
_tile_overlayer_lowered:
.L_overlay_start_2:
0xa1: {  	(tag) =	ssettag $0x2  }
0xa2: {  	s0 =	rddreg [dreg:$0x0];
	s2 =	stileid.u32  }
0xa3: {  	s1 =	rddreg [dreg:$0x1];
	p0 =	sne.s32 s2, $0x0  }
0xa4: {  	s3 =	rddreg [dreg:$0x2];
	[bflag:$0x3] =	sbarrier.arrive $0xFFFF;
	s2 =	simm.s32 @!p0 $0x1C03  }
0xa5: {  	[timem:s3], [sflag:s2] =	dma.local @!p0 [hbm:s0], s1  }
0xa6: {  	s0 =	simm.s32 @!p0 $0x3  }
0xa7: {  	_ =	swait.ge @!p0 [sflag:s0], s1  }
0xa8: {  	s1 =	ssub.s32 @!p0 $0x0, s1;
	[sflag:s0] =	ssyncset.done @!p0 $0x0  }
0xa9: {  	[sflag:s0] =	ssyncadd.s32 @!p0 s1  }
0xaa: {  	[bflag:$0x3] =	sbarrier.arrive $0xFFFF  }
0xab: {  	_ =	shalt  }

// kernel: kernel.14.cloned.1.call-start
scs
__scs_entry_jumppad:
0x0: {  	(pc) =	sbr.rel $0x88, $3  }
0x1: {  	(tag) =	ssettag $0x0;
	lr =	simm.s32 $0x1  }
0x2: {  	[smem:$0x3F96] =	sst lr;
	_ =	strace $0xD0000000  }
0x3: {  	_ = 	snop  }
0x4: {  	_ = 	snop  }
0x5: {  	_ = 	snop  }
0x6: {  	_ = 	snop  }
0x7: {  	_ = 	snop  }
__scs_overlays_trampoline_lowered:
0x8: {  	[smem:$0x3FA5] =	sst s0  }
0x9: {  	[smem:$0x3FA6] =	sst s1  }
0xa: {  	[smem:$0x3FA7] =	sst s2  }
0xb: {  	[smem:$0x3FA8] =	sst s3  }
0xc: {  	[smem:$0x3FA9] =	sst s4  }
0xd: {  	[smem:$0x3FAA] =	sst s5  }
0xe: {  	[smem:$0x3FAB] =	sst s6  }
0xf: {  	[smem:$0x3FAC] =	sst s7  }
0x10: {  	[smem:$0x3FAD] =	sst s8  }
0x11: {  	[smem:$0x3FAE] =	sst s9;
	s0 =	simm.s32 @!p0 $0x0  }
0x12: {  	s1 =	sld [smem:$0x3F94];
	s0 =	simm.s32 @p0 $0x1  }
0x13: {  	[smem:$0x3FAF] =	sst s0;
	s0 =	simm.s32 @!p1 $0x0  }
0x14: {  	s2 =	sld [smem:$0x3F93];
	s0 =	simm.s32 @p1 $0x1  }
0x15: {  	[smem:$0x3FB0] =	sst s0;
	s0 =	simm.s32 @!p2 $0x0  }
0x16: {  	s3 =	sld [smem:$0x3FDB];
	s0 =	simm.s32 @p2 $0x1  }
0x17: {  	s4 =	simm.s32 $0x1BF5;
	[smem:$0x3FB2] =	sst s0  }
0x18: {  	s0 =	sld [smem:$0x3F95];
	_ =	swait.ge [sflag:s4], $0x0  }
0x19: {  	s7 =	sld [smem:$0x3F96]  }
0x1a: {  	s8 =	sadd.s32 $0xFFFFE003, lr  }
0x1b: {  	s9 =	sadd.s32 $0xFFFFFEF7, lr;
	s5 =	simm.s32 $0xFFFFFFFF;
	p2 =	slt.u32 s8, $0xFFFFF086  }
0x1c: {  	p1 =	slt.u32 s9, $0xF7A;
	s5 =	simm.s32 @!p2 $0x0  }
0x1d: {  	s5 =	simm.s32 @p1 $0x1;
	p0 =	seq.s32 s7, s2  }
0x1e: {  	s7 =	smul.u32 @!p0 $0xF7A, s2;
	p2 =	seq.s32 @!p0 s5, $0x0  }
0x1f: {  	s9 =	smul.u32 $0xF7A, s1;
	s8 =	simm.s32 @!p0 $0x1BF5;
	p2 =	por !p2, p0  }
0x20: {  	[sflag:s8] =	ssyncset.s32 @!p0 $0xFFFFF086;
	s6 =	sadd.s32 @!p0 s3, s7;
	s7 =	simm.s32 @!p0 $0x108  }
0x21: {  	s3 =	sadd.s32 s3, s9;
	s6 =	sadd.s32 @!p0 $0x88, s6;
	s7 =	simm.s32 @p2 $0x1082  }
0x22: {  	[simem:s7], [sflag:s8] =	dma.local @!p0 [hbm:s6], $0xF7A  }
0x23: {  	s9 =	sor.u32 $0xD0000000, s2;
	s6 =	simm.s32 $0x108;
	_ =	swait.ge @!p0 [sflag:s8], $0x0  }
0x24: {  	s3 =	sadd.s32 $0x88, s3;
	s6 =	simm.s32 @!p1 $0x1082;
	[sflag:s4] =	ssyncset.s32 $0xFFFFF086  }
0x25: {  	[simem:s6], [sflag:s4] =	dma.local [hbm:s3], $0xF7A  }
0x26: {  	[smem:$0x3F96] =	sst s1;
	(tag) =	ssettag s2;
	_ =	strace s9  }
0x27: {  	s1 =	sld [smem:$0x3FA6]  }
0x28: {  	s2 =	sld [smem:$0x3FA7]  }
0x29: {  	s4 =	sld [smem:$0x3FA9]  }
0x2a: {  	p0 =	seq.s32 s5, $0x0;
	s5 =	sld [smem:$0x3FAA]  }
0x2b: {  	s6 =	sld [smem:$0x3FAB]  }
0x2c: {  	s7 =	sld [smem:$0x3FAC]  }
0x2d: {  	s3 =	simm.s32 $0x108;
	s8 =	sld [smem:$0x3FAD]  }
0x2e: {  	s3 =	simm.s32 @!p0 $0x1082;
	s9 =	sld [smem:$0x3FAE]  }
0x2f: {  	lr =	sadd.s32 s0, s3;
	s0 =	sld [smem:$0x3FA5]  }
0x30: {  	s3 =	sld [smem:$0x3FA8]  }
0x31: {  	[smem:$0x3FB1] =	sst s10  }
0x32: {  	s10 =	sld [smem:$0x3FAF];
	_ =	sdelay $0x3  }
0x33: {  	p0 =	seq.s32 s10, $0x1;
	s10 =	sld [smem:$0x3FB1];
	_ =	sdelay $0x3  }
0x34: {  	[smem:$0x3FB1] =	sst s10  }
0x35: {  	s10 =	sld [smem:$0x3FB0];
	_ =	sdelay $0x3  }
0x36: {  	p1 =	seq.s32 s10, $0x1;
	s10 =	sld [smem:$0x3FB1];
	_ =	sdelay $0x3  }
0x37: {  	[smem:$0x3FB1] =	sst s10  }
0x38: {  	s10 =	sld [smem:$0x3FB2]  }
0x39: {  	_ = 	snop;
	(pc) =	sbr.ind lr, $3  }
0x3a: {  	_ = 	snop  }
0x3b: {  	_ = 	snop  }
0x3c: {  	p2 =	seq.s32 s10, $0x1;
	s10 =	sld [smem:$0x3FB1]  }
0x3d: {  	_ =	shalt  }
0x3e: {  	_ =	shalt  }
0x3f: {  	_ =	shalt  }
0x40: {  	_ =	shalt  }
0x41: {  	_ =	shalt  }
0x42: {  	_ =	shalt  }
0x43: {  	_ =	shalt  }
0x44: {  	_ =	shalt  }
0x45: {  	_ =	shalt  }
0x46: {  	_ =	shalt  }
0x47: {  	_ =	shalt  }
0x48: {  	_ =	shalt  }
0x49: {  	_ =	shalt  }
0x4a: {  	_ =	shalt  }
0x4b: {  	_ =	shalt  }
0x4c: {  	_ =	shalt  }
0x4d: {  	_ =	shalt  }
0x4e: {  	_ =	shalt  }
0x4f: {  	_ =	shalt  }
0x50: {  	_ =	shalt  }
0x51: {  	_ =	shalt  }
0x52: {  	_ =	shalt  }
0x53: {  	_ =	shalt  }
0x54: {  	_ =	shalt  }
0x55: {  	_ =	shalt  }
0x56: {  	_ =	shalt  }
0x57: {  	_ =	shalt  }
0x58: {  	_ =	shalt  }
0x59: {  	_ =	shalt  }
0x5a: {  	_ =	shalt  }
0x5b: {  	_ =	shalt  }
0x5c: {  	_ =	shalt  }
0x5d: {  	_ =	shalt  }
0x5e: {  	_ =	shalt  }
0x5f: {  	_ =	shalt  }
0x60: {  	_ =	shalt  }
0x61: {  	_ =	shalt  }
0x62: {  	_ =	shalt  }
0x63: {  	_ =	shalt  }
0x64: {  	_ =	shalt  }
0x65: {  	_ =	shalt  }
0x66: {  	_ =	shalt  }
0x67: {  	_ =	shalt  }
0x68: {  	_ =	shalt  }
0x69: {  	_ =	shalt  }
0x6a: {  	_ =	shalt  }
0x6b: {  	_ =	shalt  }
0x6c: {  	_ =	shalt  }
0x6d: {  	_ =	shalt  }
0x6e: {  	_ =	shalt  }
0x6f: {  	_ =	shalt  }
0x70: {  	_ =	shalt  }
0x71: {  	_ =	shalt  }
0x72: {  	_ =	shalt  }
0x73: {  	_ =	shalt  }
0x74: {  	_ =	shalt  }
0x75: {  	_ =	shalt  }
0x76: {  	_ =	shalt  }
0x77: {  	_ =	shalt  }
0x78: {  	_ =	shalt  }
0x79: {  	_ =	shalt  }
0x7a: {  	_ =	shalt  }
0x7b: {  	_ =	shalt  }
0x7c: {  	_ =	shalt  }
0x7d: {  	_ =	shalt  }
0x7e: {  	_ =	shalt  }
0x7f: {  	_ =	shalt  }
0x80: {  	_ =	shalt  }
0x81: {  	_ =	shalt  }
0x82: {  	_ =	shalt  }
0x83: {  	_ =	shalt  }
0x84: {  	_ =	shalt  }
0x85: {  	_ =	shalt  }
0x86: {  	_ =	shalt  }
0x87: {  	_ =	shalt  }
.Lfunc_end0:
.L_simem_size_0:
called_computation.2_lowered:
.L_overlay_start_0:
0x88: {  	s2 =	sld [smem:$0x3FD9]  }
0x89: {  	s3 =	sld [smem:$0x3FFE];
	_ =	sdelay $0x1  }
0x8a: {  	s1 =	srdreg.scid  }
0x8b: {  	s0 =	sand.u32 $0x1, s1  }
0x8c: {  	s16 =	sshll.u32 s0, $0xA;
	s2 =	sadd.s32 s3, s2  }
0x8d: {  	s2 =	sadd.s32 s2, s16  }
0x8e: {  	[smem:$0x3FBD] =	sst s2  }
0x8f: {  	_ = 	snop  }
0x90: {  	(tm) =	ssettm $0x1  }
0x91: {  	s17 =	sld [smem:$0x3FFB];
	_ =	sdelay $0x3  }
0x92: {  	_ =	strace s17  }
0x93: {  	s2 =	sld [smem:$0x3FFC];
	_ =	sdelay $0x3  }
0x94: {  	_ =	strace s2  }
0x95: {  	s2 =	sld [smem:$0x3FFD];
	_ =	sdelay $0x3  }
0x96: {  	_ =	strace s2  }
0x97: {  	_ =	strace $0x8FFFFFFF  }
0x98: {  	s18 =	sld [smem:$0x3FDB];
	_ =	sdelay $0x1  }
0x99: {  	s19 =	simm.s32 $_scs_section_size  }
0x9a: {  	s4 =	simm.s32 $_size__tile_overlayer_lowered;
	s5 =	simm.s32 $_tile_overlayer_lowered  }
0x9b: {  	s22 =	simm.s32 $0x1BFF;
	s21 =	sshll.u32 s5, $0x1;
	s2 =	sadd.s32 s19, s18  }
0x9c: {  	s6 =	simm.s32 $0x0;
	s20 =	sshll.u32 s4, $0x1;
	s4 =	sadd.s32 s21, s2  }
0x9d: {  	[timem:s6], [sflag:s22] =	dma.local [hbm:s4], s20  }
0x9e: {  	_ =	swait.ge [sflag:s22], s20  }
0x9f: {  	s3 =	ssub.s32 $0x0, s20;
	[sflag:s22] =	ssyncset.done $0x0  }
0xa0: {  	[sflag:s22] =	ssyncadd.s32 s3;
	_ =	sdelay $0x1  }
0xa1: {  	s23 =	simm.s32 $0x1B8B  }
0xa2: {  	_ =	swait.ge [sflag:s23], $0x1  }
0xa3: {  	[sflag:s23] =	ssyncset.done $0x0  }
0xa4: {  	s25 =	simm.s32 $0x1B8E;
	s24 =	sld [smem:$0x3FFE];
	[sflag:s23] =	ssyncadd.s32 $0xFFFFFFFF  }
0xa5: {  	s26 =	simm.s32 $execute0_lowered;
	[smem:$0x3FD2] =	sst s25  }
0xa6: {  	s4 =	sshll.u32 s26, $0x1;
	_ =	strace $0x8000004C;
	[dreg:$0x1] =	wrdreg $0xFFFFFFFF  }
0xa7: {  	s28 =	simm.s32 $_size_execute0_lowered;
	s2 =	sadd.s32 s2, s4;
	[dreg:$0x0] =	wrdreg $0x0  }
0xa8: {  	s4 =	sshll.u32 s28, $0x1;
	[dreg:$0x2] =	wrdreg s2  }
0xa9: {  	[dreg:$0x3] =	wrdreg s4  }
0xaa: {  	[dreg:$0x4] =	wrdreg $0xC0  }
0xab: {  	_ =	task [dreg:s6], $0x5FFFF  }
0xac: {  	[dreg:$0x1] =	wrdreg $0xFFFFFFFF  }
0xad: {  	[dreg:$0x0] =	wrdreg $0x60  }
0xae: {  	[dreg:$0x2] =	wrdreg s24  }
0xaf: {  	[dreg:$0x3] =	wrdreg $0xA8000  }
0xb0: {  	[dreg:$0x4] =	wrdreg $0x9  }
0xb1: {  	_ =	task.clear_ibuf [dreg:s6], $0x5FFFF;
	_ =	strace $0x9000004C  }
0xb2: {  	s29 =	simm.s32 $0x9;
	_ =	strace $0x8000004E  }
0xb3: {  	_ =	swait.ge [sflag:s29], $0x1  }
0xb4: {  	[sflag:s29] =	ssyncadd.s32 $0xFFFFFFFF  }
0xb5: {  	_ =	strace $0x9000004E  }
0xb6: {  	_ =	sfence  }
0xb7: {  	s30 =	sld [smem:$0x0];
	_ =	sdelay $0x2  }
0xb8: {  	s31 =	sshll.u32 s1, $0xD;
	s1 =	sshrl.u32 s1, $0x2  }
0xb9: {  	s3 =	sand.u32 $0x4000, s31;
	s1 =	sadd.s32 s1, s30  }
0xba: {  	s0 =	sor.u32 s3, s0;
	s1 =	sshll.u32 s1, $0x11  }
0xbb: {  	s0 =	sor.u32 s1, s0  }
0xbc: {  	s0 =	sadd.s32 $0x8F2B, s0  }
0xbd: {  	[sflag:s0] =	ssyncadd.remote.s32 $0x1  }
0xbe: {  	_ =	sfence.sel $0xFFFF  }
0xbf: {  	[dreg:$0x0] =	wrdreg $0xFFFFFFFF;
	(pc) =	sbr.abs _section_cstart, $3  }
0xc0: {  	[dreg:$0x1] =	wrdreg $0xFFFFFFFF  }
0xc1: {  	_ =	task.clear_ibuf [dreg:s6], $0x2FFFF;
	_ =	strace $0x9FFFFFFF  }
0xc2: {  	(tm) =	ssettm $0x7FFFFFFF  }
0xc3: {  	_ =	shalt  }
tec
execute0_lowered:
.L_overlay_start_1:
0x0: {  	(tag) =	ssettag $0x1  }
0x1: {  	s8 =	rddreg [dreg:$0x0]  }
0x2: {  	s1 =	rddreg [dreg:$0x1]  }
0x3: {  	s0 =	rddreg [dreg:$0x2];
	s3 =	simm.s32 $0x0;
	s2 =	srdreg.scid  }
0x4: {  	s16 =	simm.s32 $0x7D;
	s17 =	simm.s32 $0x2800;
	s18 =	simm.s32 $0x1  }
0x5: {  	s19 =	simm.s32 $0x6800;
	s20 =	simm.s32 $0x2;
	s21 =	simm.s32 $0x1380  }
0x6: {  	s22 =	simm.s32 $0x2700;
	[smem:$0x7FF] =	sst s3;
	s10 =	sand.u32 $0x1, s2  }
0x7: {  	s23 =	simm.s32 $0x2780;
	s2 =	stileid.u32;
	s7 =	smul.u32 $0x140000, s10  }
0x8: {  	s4 =	sadd.s32 $0x36800, s8;
	s5 =	sadd.s32 $0x2E00, s8;
	s9 =	smul.u32 $0x14000, s2  }
0x9: {  	s6 =	sadd.s32 $0x4A800, s8;
	_ =	strace $0x8000004D;
	s12 =	smul.u32 $0x50000, s2  }
0xa: {  	s11 =	ssub.s32 $0x2, s10;
	s31 =	sshll.u32 s2, $0x6;
	s10 =	smul.u32 $0x50000, s10  }
0xb: {  	s13 =	sshrl.u32 s11, $0x1;
	s9 =	sadd.s32 s9, s7;
	s7 =	sadd.s32 $0xCE00, s8  }
0xc: {  	s13 =	ssub.s32 s11, s13;
	s30 =	sshrl.u32 s12, $0x2;
	s9 =	sshrl.u32 s9, $0x3  }
0xd: {  	s15 =	sadd.s32 s30, s1;
	s12 =	smax.u32 s13, $0x1;
	s14 =	sadd.s32 s9, s8  }
0xe: {  	s8 =	smul.u32 $0xA0, s2;
	s9 =	sor.u32 $0x1C03, s31;
	s13 =	sshrl.u32 s15, $0x3  }
0xf: {  	s15 =	simm.s32 $0x1400;
	s11 =	sadd.s32 $0x98A00, s14;
	s14 =	simm.s32 $0x3  }
.LBB2_1:
0x10: {  	[spmem:s13], [sflag:s9] =	dma.local [hbm:s7], $0x2800  }
0x11: {  	_ =	swait.ge [sflag:s14], $0x2800  }
0x12: {  	[sflag:s14] =	ssyncset.done $0x0  }
0x13: {  	[sflag:s14] =	ssyncadd.s32 $0xFFFFD800  }
0x14: {  	s24 =	simm.s32 $0x0;
	[bflag:$0x0] =	sbarrier.arrive $0xFFFF  }
.LBB2_2:
0x15: {  	s25 =	smul.u32 $0x28, s24;
	_ =	sdelay $0x1  }
0x16: {  	s25 =	sadd.s32 s8, s25  }
0x17: {  	s26 =	sshll.u32 s25, $0x7  }
0x18: {  	s26 =	sadd.s32 s10, s26  }
0x19: {  	s26 =	sshrl.u32 s26, $0x3  }
0x1a: {  	s28 =	simm.s32 $0x0;
	s26 =	sadd.s32 s4, s26  }
0x1b: {  	[tilespmem:s28], [sflag:$0x3] =	stream.linear.gather [hbm4b:s26+s28], $0x1400, $0x38;
	[tilespmem:$0x1E800] =	vst v63  }
0x1c: {  	_ =	swait.ge [sflag:s14], $0x1400  }
0x1d: {  	s25 =	sshll.u32 s25, $0x4;
	[sflag:s14] =	ssyncset.done $0x0  }
0x1e: {  	s25 =	sadd.s32 s5, s25;
	[sflag:s14] =	ssyncadd.s32 $0xFFFFEC00  }
0x1f: {  	[tilespmem:s15], [sflag:$0x3] =	stream.linear.gather [hbm4b:s25+s28], $0x1400, $0x38;
	[tilespmem:$0x1E800] =	vst v63  }
0x20: {  	_ =	swait.ge [sflag:s14], $0x1400  }
0x21: {  	[sflag:s14] =	ssyncset.done $0x0  }
0x22: {  	[sflag:s14] =	ssyncadd.s32 $0xFFFFEC00  }
0x23: {  	[tilespmem:s17], [sflag:$0x1] =	stream.indirect.gather [hbm4b:s6+s16], $0x80, s28, s16, $0xb8;
	[tilespmem:$0x1E800] =	vst v63  }
0x24: {  	_ =	swait.ge [sflag:s18], $0x3E80  }
0x25: {  	[sflag:s18] =	ssyncset.done $0x0  }
0x26: {  	s28 =	simm.s32 $0x80;
	[sflag:s18] =	ssyncadd.s32 $0xFFFFC180  }
0x27: {  	[tilespmem:s19], [sflag:$0x2] =	stream.indirect.gather [hbm4b:s6+s16], $0x80, s28, s16, $0xb8;
	[tilespmem:$0x1E800] =	vst v63  }
0x28: {  	s29 =	simm.s32 $0x1400  }
0x29: {  	[spmem:s1] =	stream.indirect.scatter.add.f32 [tilespmem:s17], [sflag:$0x3], $0x80, s29, s16, $0xb8;
	[tilespmem:$0x1E800] =	vst v63  }
0x2a: {  	_ =	swait.ge [sflag:s14], $0x3E80  }
0x2b: {  	[sflag:s14] =	ssyncset.done $0x0  }
0x2c: {  	[sflag:s14] =	ssyncadd.s32 $0xFFFFC180  }
0x2d: {  	_ =	swait.ge [sflag:s20], $0x3E80  }
0x2e: {  	[sflag:s20] =	ssyncset.done $0x0  }
0x2f: {  	s30 =	simm.s32 $0x100;
	[sflag:s20] =	ssyncadd.s32 $0xFFFFC180  }
0x30: {  	[tilespmem:s17], [sflag:$0x1] =	stream.indirect.gather [hbm4b:s6+s16], $0x80, s30, s16, $0xb8;
	[tilespmem:$0x1E800] =	vst v63  }
0x31: {  	s31 =	simm.s32 $0x1480  }
0x32: {  	[spmem:s1] =	stream.indirect.scatter.add.f32 [tilespmem:s19], [sflag:$0x3], $0x80, s31, s16, $0xb8;
	[tilespmem:$0x1E800] =	vst v63  }
0x33: {  	_ =	swait.ge [sflag:s14], $0x3E80  }
0x34: {  	s25 =	simm.s32 $0x400;
	[sflag:s14] =	ssyncset.done $0x0  }
.LBB2_3:
0x35: {  	p0 =	sne.s32 s25, $0x4800  }
0x36: {  	[sflag:s14] =	ssyncadd.s32 $0xFFFFC180;
	s26 =	smov.u32 s25;
	s25 =	sadd.s32 $0x400, s25  }
0x37: {  	_ = 	snop  }
0x38: {  	_ =	swait.ge [sflag:s18], $0x3E80  }
0x39: {  	s26 =	sshra.s32 s26, $0x2;
	[sflag:s18] =	ssyncset.done $0x0  }
0x3a: {  	s28 =	sadd.s32 $0x80, s26;
	[sflag:s18] =	ssyncadd.s32 $0xFFFFC180  }
0x3b: {  	[tilespmem:s19], [sflag:$0x2] =	stream.indirect.gather [hbm4b:s6+s16], $0x80, s28, s16, $0xb8;
	[tilespmem:$0x1E800] =	vst v63  }
0x3c: {  	s28 =	sadd.s32 $0x1400, s26  }
0x3d: {  	[spmem:s1] =	stream.indirect.scatter.add.f32 [tilespmem:s17], [sflag:$0x3], $0x80, s28, s16, $0xb8;
	[tilespmem:$0x1E800] =	vst v63  }
0x3e: {  	_ =	swait.ge [sflag:s14], $0x3E80  }
0x3f: {  	[sflag:s14] =	ssyncset.done $0x0  }
0x40: {  	[sflag:s14] =	ssyncadd.s32 $0xFFFFC180  }
0x41: {  	_ =	swait.ge [sflag:s20], $0x3E80  }
0x42: {  	[sflag:s20] =	ssyncset.done $0x0  }
0x43: {  	s28 =	sadd.s32 $0x100, s26;
	[sflag:s20] =	ssyncadd.s32 $0xFFFFC180  }
0x44: {  	[tilespmem:s17], [sflag:$0x1] =	stream.indirect.gather [hbm4b:s6+s16], $0x80, s28, s16, $0xb8;
	[tilespmem:$0x1E800] =	vst v63  }
.Ltmp0:
0x45: {  	_ = 	snop;
	(pc) =	sbr.rel @p0 .LBB2_3-.Ltmp0, $4  }
0x46: {  	s26 =	sadd.s32 $0x1480, s26  }
0x47: {  	[spmem:s1] =	stream.indirect.scatter.add.f32 [tilespmem:s19], [sflag:$0x3], $0x80, s26, s16, $0xb8;
	[tilespmem:$0x1E800] =	vst v63  }
0x48: {  	_ =	swait.ge [sflag:s14], $0x3E80  }
0x49: {  	[sflag:s14] =	ssyncset.done $0x0  }
0x4a: {  	[sflag:s14] =	ssyncadd.s32 $0xFFFFC180  }
0x4b: {  	_ =	swait.ge [sflag:s18], $0x3E80  }
0x4c: {  	[sflag:s18] =	ssyncset.done $0x0  }
0x4d: {  	[sflag:s18] =	ssyncadd.s32 $0xFFFFC180  }
0x4e: {  	[tilespmem:s19], [sflag:$0x2] =	stream.indirect.gather [hbm4b:s6+s16], $0x80, s21, s16, $0xb8;
	[tilespmem:$0x1E800] =	vst v63  }
0x4f: {  	_ = 	snop  }
0x50: {  	[spmem:s1] =	stream.indirect.scatter.add.f32 [tilespmem:s17], [sflag:$0x3], $0x80, s22, s16, $0xb8;
	[tilespmem:$0x1E800] =	vst v63  }
0x51: {  	_ =	swait.ge [sflag:s14], $0x3E80  }
0x52: {  	[sflag:s14] =	ssyncset.done $0x0  }
0x53: {  	[sflag:s14] =	ssyncadd.s32 $0xFFFFC180  }
0x54: {  	s24 =	sadd.s32 $0x1, s24;
	_ =	swait.ge [sflag:s20], $0x3E80  }
0x55: {  	p0 =	sne.s32 s24, $0x4;
	[sflag:s20] =	ssyncset.done $0x0  }
.Ltmp1:
0x56: {  	[sflag:s20] =	ssyncadd.s32 $0xFFFFC180;
	(pc) =	sbr.rel @p0 .LBB2_2-.Ltmp1, $4  }
0x57: {  	[spmem:s1] =	stream.indirect.scatter.add.f32 [tilespmem:s19], [sflag:$0x3], $0x80, s23, s16, $0xb8;
	[tilespmem:$0x1E800] =	vst v63  }
0x58: {  	_ =	swait.ge [sflag:s14], $0x3E80  }
0x59: {  	[sflag:s14] =	ssyncset.done $0x0  }
0x5a: {  	[sflag:s14] =	ssyncadd.s32 $0xFFFFC180  }
0x5b: {  	s3 =	sadd.s32 $0x1, s3  }
0x5c: {  	p0 =	sne.s32 s3, s12  }
.Ltmp2:
0x5d: {  	[bflag:$0x0] =	sbarrier.arrive $0xFFFF;
	(pc) =	sbr.rel @p0 .LBB2_1-.Ltmp2, $4  }
0x5e: {  	[hbm:s11], [sflag:s9] =	dma.local [spmem:s13], $0x2800  }
0x5f: {  	_ =	swait.ge [sflag:s14], $0x2800  }
0x60: {  	[sflag:s14] =	ssyncset.done $0x0  }
0x61: {  	[sflag:s14] =	ssyncadd.s32 $0xFFFFD800  }
0x62: {  	_ =	sfence.sel $0x180000  }
0x63: {  	[bflag:$0x0] =	sbarrier.arrive $0xFFFF  }
0x64: {  	p0 =	sne.s32 s2, $0x0;
	_ =	strace $0x9000004D  }
0x65: {  	s0 =	sadd.s32 @!p0 $0x100000, s0;
	[bflag:$0x2] =	sbarrier.arrive $0xFFFF  }
0x66: {  	[sflag:s0] =	ssyncadd.tile.s32 @!p0 $0x1;
	_ =	shalt  }
.Lfunc_end2:
_tile_overlayer_lowered:
.L_overlay_start_2:
0x67: {  	(tag) =	ssettag $0x2  }
0x68: {  	s0 =	rddreg [dreg:$0x0];
	s2 =	stileid.u32  }
0x69: {  	s1 =	rddreg [dreg:$0x1];
	p0 =	sne.s32 s2, $0x0  }
0x6a: {  	s3 =	rddreg [dreg:$0x2];
	[bflag:$0x3] =	sbarrier.arrive $0xFFFF;
	s2 =	simm.s32 @!p0 $0x1C03  }
0x6b: {  	[timem:s3], [sflag:s2] =	dma.local @!p0 [hbm:s0], s1  }
0x6c: {  	s0 =	simm.s32 @!p0 $0x3  }
0x6d: {  	_ =	swait.ge @!p0 [sflag:s0], s1  }
0x6e: {  	s1 =	ssub.s32 @!p0 $0x0, s1;
	[sflag:s0] =	ssyncset.done @!p0 $0x0  }
0x6f: {  	[sflag:s0] =	ssyncadd.s32 @!p0 s1  }
0x70: {  	[bflag:$0x3] =	sbarrier.arrive $0xFFFF  }
0x71: {  	_ =	shalt  }

// kernel: kernel.8.cloned.1.call-start
scs
__scs_entry_jumppad:
0x0: {  	(pc) =	sbr.rel $0x88, $3  }
0x1: {  	(tag) =	ssettag $0x0;
	lr =	simm.s32 $0x1  }
0x2: {  	[smem:$0x3F96] =	sst lr;
	_ =	strace $0xD0000000  }
0x3: {  	_ = 	snop  }
0x4: {  	_ = 	snop  }
0x5: {  	_ = 	snop  }
0x6: {  	_ = 	snop  }
0x7: {  	_ = 	snop  }
__scs_overlays_trampoline_lowered:
0x8: {  	[smem:$0x3FA5] =	sst s0  }
0x9: {  	[smem:$0x3FA6] =	sst s1  }
0xa: {  	[smem:$0x3FA7] =	sst s2  }
0xb: {  	[smem:$0x3FA8] =	sst s3  }
0xc: {  	[smem:$0x3FA9] =	sst s4  }
0xd: {  	[smem:$0x3FAA] =	sst s5  }
0xe: {  	[smem:$0x3FAB] =	sst s6  }
0xf: {  	[smem:$0x3FAC] =	sst s7  }
0x10: {  	[smem:$0x3FAD] =	sst s8  }
0x11: {  	[smem:$0x3FAE] =	sst s9;
	s0 =	simm.s32 @!p0 $0x0  }
0x12: {  	s1 =	sld [smem:$0x3F94];
	s0 =	simm.s32 @p0 $0x1  }
0x13: {  	[smem:$0x3FAF] =	sst s0;
	s0 =	simm.s32 @!p1 $0x0  }
0x14: {  	s2 =	sld [smem:$0x3F93];
	s0 =	simm.s32 @p1 $0x1  }
0x15: {  	[smem:$0x3FB0] =	sst s0;
	s0 =	simm.s32 @!p2 $0x0  }
0x16: {  	s3 =	sld [smem:$0x3FDB];
	s0 =	simm.s32 @p2 $0x1  }
0x17: {  	s4 =	simm.s32 $0x1BF5;
	[smem:$0x3FB2] =	sst s0  }
0x18: {  	s0 =	sld [smem:$0x3F95];
	_ =	swait.ge [sflag:s4], $0x0  }
0x19: {  	s7 =	sld [smem:$0x3F96]  }
0x1a: {  	s8 =	sadd.s32 $0xFFFFE003, lr  }
0x1b: {  	s9 =	sadd.s32 $0xFFFFFEF7, lr;
	s5 =	simm.s32 $0xFFFFFFFF;
	p2 =	slt.u32 s8, $0xFFFFF086  }
0x1c: {  	p1 =	slt.u32 s9, $0xF7A;
	s5 =	simm.s32 @!p2 $0x0  }
0x1d: {  	s5 =	simm.s32 @p1 $0x1;
	p0 =	seq.s32 s7, s2  }
0x1e: {  	s7 =	smul.u32 @!p0 $0xF7A, s2;
	p2 =	seq.s32 @!p0 s5, $0x0  }
0x1f: {  	s9 =	smul.u32 $0xF7A, s1;
	s8 =	simm.s32 @!p0 $0x1BF5;
	p2 =	por !p2, p0  }
0x20: {  	[sflag:s8] =	ssyncset.s32 @!p0 $0xFFFFF086;
	s6 =	sadd.s32 @!p0 s3, s7;
	s7 =	simm.s32 @!p0 $0x108  }
0x21: {  	s3 =	sadd.s32 s3, s9;
	s6 =	sadd.s32 @!p0 $0x88, s6;
	s7 =	simm.s32 @p2 $0x1082  }
0x22: {  	[simem:s7], [sflag:s8] =	dma.local @!p0 [hbm:s6], $0xF7A  }
0x23: {  	s9 =	sor.u32 $0xD0000000, s2;
	s6 =	simm.s32 $0x108;
	_ =	swait.ge @!p0 [sflag:s8], $0x0  }
0x24: {  	s3 =	sadd.s32 $0x88, s3;
	s6 =	simm.s32 @!p1 $0x1082;
	[sflag:s4] =	ssyncset.s32 $0xFFFFF086  }
0x25: {  	[simem:s6], [sflag:s4] =	dma.local [hbm:s3], $0xF7A  }
0x26: {  	[smem:$0x3F96] =	sst s1;
	(tag) =	ssettag s2;
	_ =	strace s9  }
0x27: {  	s1 =	sld [smem:$0x3FA6]  }
0x28: {  	s2 =	sld [smem:$0x3FA7]  }
0x29: {  	s4 =	sld [smem:$0x3FA9]  }
0x2a: {  	p0 =	seq.s32 s5, $0x0;
	s5 =	sld [smem:$0x3FAA]  }
0x2b: {  	s6 =	sld [smem:$0x3FAB]  }
0x2c: {  	s7 =	sld [smem:$0x3FAC]  }
0x2d: {  	s3 =	simm.s32 $0x108;
	s8 =	sld [smem:$0x3FAD]  }
0x2e: {  	s3 =	simm.s32 @!p0 $0x1082;
	s9 =	sld [smem:$0x3FAE]  }
0x2f: {  	lr =	sadd.s32 s0, s3;
	s0 =	sld [smem:$0x3FA5]  }
0x30: {  	s3 =	sld [smem:$0x3FA8]  }
0x31: {  	[smem:$0x3FB1] =	sst s10  }
0x32: {  	s10 =	sld [smem:$0x3FAF];
	_ =	sdelay $0x3  }
0x33: {  	p0 =	seq.s32 s10, $0x1;
	s10 =	sld [smem:$0x3FB1];
	_ =	sdelay $0x3  }
0x34: {  	[smem:$0x3FB1] =	sst s10  }
0x35: {  	s10 =	sld [smem:$0x3FB0];
	_ =	sdelay $0x3  }
0x36: {  	p1 =	seq.s32 s10, $0x1;
	s10 =	sld [smem:$0x3FB1];
	_ =	sdelay $0x3  }
0x37: {  	[smem:$0x3FB1] =	sst s10  }
0x38: {  	s10 =	sld [smem:$0x3FB2]  }
0x39: {  	_ = 	snop;
	(pc) =	sbr.ind lr, $3  }
0x3a: {  	_ = 	snop  }
0x3b: {  	_ = 	snop  }
0x3c: {  	p2 =	seq.s32 s10, $0x1;
	s10 =	sld [smem:$0x3FB1]  }
0x3d: {  	_ =	shalt  }
0x3e: {  	_ =	shalt  }
0x3f: {  	_ =	shalt  }
0x40: {  	_ =	shalt  }
0x41: {  	_ =	shalt  }
0x42: {  	_ =	shalt  }
0x43: {  	_ =	shalt  }
0x44: {  	_ =	shalt  }
0x45: {  	_ =	shalt  }
0x46: {  	_ =	shalt  }
0x47: {  	_ =	shalt  }
0x48: {  	_ =	shalt  }
0x49: {  	_ =	shalt  }
0x4a: {  	_ =	shalt  }
0x4b: {  	_ =	shalt  }
0x4c: {  	_ =	shalt  }
0x4d: {  	_ =	shalt  }
0x4e: {  	_ =	shalt  }
0x4f: {  	_ =	shalt  }
0x50: {  	_ =	shalt  }
0x51: {  	_ =	shalt  }
0x52: {  	_ =	shalt  }
0x53: {  	_ =	shalt  }
0x54: {  	_ =	shalt  }
0x55: {  	_ =	shalt  }
0x56: {  	_ =	shalt  }
0x57: {  	_ =	shalt  }
0x58: {  	_ =	shalt  }
0x59: {  	_ =	shalt  }
0x5a: {  	_ =	shalt  }
0x5b: {  	_ =	shalt  }
0x5c: {  	_ =	shalt  }
0x5d: {  	_ =	shalt  }
0x5e: {  	_ =	shalt  }
0x5f: {  	_ =	shalt  }
0x60: {  	_ =	shalt  }
0x61: {  	_ =	shalt  }
0x62: {  	_ =	shalt  }
0x63: {  	_ =	shalt  }
0x64: {  	_ =	shalt  }
0x65: {  	_ =	shalt  }
0x66: {  	_ =	shalt  }
0x67: {  	_ =	shalt  }
0x68: {  	_ =	shalt  }
0x69: {  	_ =	shalt  }
0x6a: {  	_ =	shalt  }
0x6b: {  	_ =	shalt  }
0x6c: {  	_ =	shalt  }
0x6d: {  	_ =	shalt  }
0x6e: {  	_ =	shalt  }
0x6f: {  	_ =	shalt  }
0x70: {  	_ =	shalt  }
0x71: {  	_ =	shalt  }
0x72: {  	_ =	shalt  }
0x73: {  	_ =	shalt  }
0x74: {  	_ =	shalt  }
0x75: {  	_ =	shalt  }
0x76: {  	_ =	shalt  }
0x77: {  	_ =	shalt  }
0x78: {  	_ =	shalt  }
0x79: {  	_ =	shalt  }
0x7a: {  	_ =	shalt  }
0x7b: {  	_ =	shalt  }
0x7c: {  	_ =	shalt  }
0x7d: {  	_ =	shalt  }
0x7e: {  	_ =	shalt  }
0x7f: {  	_ =	shalt  }
0x80: {  	_ =	shalt  }
0x81: {  	_ =	shalt  }
0x82: {  	_ =	shalt  }
0x83: {  	_ =	shalt  }
0x84: {  	_ =	shalt  }
0x85: {  	_ =	shalt  }
0x86: {  	_ =	shalt  }
0x87: {  	_ =	shalt  }
.Lfunc_end0:
.L_simem_size_0:
called_computation_lowered:
.L_overlay_start_0:
0x88: {  	s2 =	sld [smem:$0x3FD9]  }
0x89: {  	s3 =	sld [smem:$0x3FFE];
	_ =	sdelay $0x1  }
0x8a: {  	s1 =	srdreg.scid  }
0x8b: {  	s0 =	sand.u32 $0x1, s1  }
0x8c: {  	s16 =	sshll.u32 s0, $0xA;
	s2 =	sadd.s32 s3, s2  }
0x8d: {  	s2 =	sadd.s32 s2, s16  }
0x8e: {  	[smem:$0x3FBD] =	sst s2  }
0x8f: {  	_ = 	snop  }
0x90: {  	(tm) =	ssettm $0x1  }
0x91: {  	s17 =	sld [smem:$0x3FFB];
	_ =	sdelay $0x3  }
0x92: {  	_ =	strace s17  }
0x93: {  	s2 =	sld [smem:$0x3FFC];
	_ =	sdelay $0x3  }
0x94: {  	_ =	strace s2  }
0x95: {  	s2 =	sld [smem:$0x3FFD];
	_ =	sdelay $0x3  }
0x96: {  	_ =	strace s2  }
0x97: {  	_ =	strace $0x8FFFFFFF  }
0x98: {  	s18 =	sld [smem:$0x3FDB];
	_ =	sdelay $0x1  }
0x99: {  	s19 =	simm.s32 $_scs_section_size  }
0x9a: {  	s4 =	simm.s32 $_size__tile_overlayer_lowered;
	s5 =	simm.s32 $_tile_overlayer_lowered  }
0x9b: {  	s22 =	simm.s32 $0x1BFF;
	s21 =	sshll.u32 s5, $0x1;
	s2 =	sadd.s32 s19, s18  }
0x9c: {  	s6 =	simm.s32 $0x0;
	s20 =	sshll.u32 s4, $0x1;
	s4 =	sadd.s32 s21, s2  }
0x9d: {  	[timem:s6], [sflag:s22] =	dma.local [hbm:s4], s20  }
0x9e: {  	_ =	swait.ge [sflag:s22], s20  }
0x9f: {  	s3 =	ssub.s32 $0x0, s20;
	[sflag:s22] =	ssyncset.done $0x0  }
0xa0: {  	[sflag:s22] =	ssyncadd.s32 s3;
	_ =	sdelay $0x1  }
0xa1: {  	s23 =	simm.s32 $0x1B8B  }
0xa2: {  	_ =	swait.ge [sflag:s23], $0x1  }
0xa3: {  	[sflag:s23] =	ssyncset.done $0x0  }
0xa4: {  	s25 =	simm.s32 $0x1B8E;
	s24 =	sld [smem:$0x3FFE];
	[sflag:s23] =	ssyncadd.s32 $0xFFFFFFFF  }
0xa5: {  	s26 =	simm.s32 $execute0_lowered;
	[smem:$0x3FD2] =	sst s25  }
0xa6: {  	s4 =	sshll.u32 s26, $0x1;
	_ =	strace $0x80000046;
	[dreg:$0x1] =	wrdreg $0xFFFFFFFF  }
0xa7: {  	s28 =	simm.s32 $_size_execute0_lowered;
	s2 =	sadd.s32 s2, s4;
	[dreg:$0x0] =	wrdreg $0x0  }
0xa8: {  	s4 =	sshll.u32 s28, $0x1;
	[dreg:$0x2] =	wrdreg s2  }
0xa9: {  	[dreg:$0x3] =	wrdreg s4  }
0xaa: {  	[dreg:$0x4] =	wrdreg $0xC0  }
0xab: {  	_ =	task [dreg:s6], $0x5FFFF  }
0xac: {  	[dreg:$0x1] =	wrdreg $0xFFFFFFFF  }
0xad: {  	[dreg:$0x0] =	wrdreg $0x60  }
0xae: {  	[dreg:$0x2] =	wrdreg s24  }
0xaf: {  	[dreg:$0x3] =	wrdreg $0x68000  }
0xb0: {  	[dreg:$0x4] =	wrdreg $0x9  }
0xb1: {  	_ =	task.clear_ibuf [dreg:s6], $0x5FFFF;
	_ =	strace $0x90000046  }
0xb2: {  	s29 =	simm.s32 $0x9;
	_ =	strace $0x80000048  }
0xb3: {  	_ =	swait.ge [sflag:s29], $0x1  }
0xb4: {  	[sflag:s29] =	ssyncadd.s32 $0xFFFFFFFF  }
0xb5: {  	_ =	strace $0x90000048  }
0xb6: {  	_ =	sfence  }
0xb7: {  	s30 =	sld [smem:$0x0];
	_ =	sdelay $0x2  }
0xb8: {  	s31 =	sshll.u32 s1, $0xD;
	s1 =	sshrl.u32 s1, $0x2  }
0xb9: {  	s3 =	sand.u32 $0x4000, s31;
	s1 =	sadd.s32 s1, s30  }
0xba: {  	s0 =	sor.u32 s3, s0;
	s1 =	sshll.u32 s1, $0x11  }
0xbb: {  	s0 =	sor.u32 s1, s0  }
0xbc: {  	s0 =	sadd.s32 $0x8F2B, s0  }
0xbd: {  	[sflag:s0] =	ssyncadd.remote.s32 $0x1  }
0xbe: {  	_ =	sfence.sel $0xFFFF  }
0xbf: {  	[dreg:$0x0] =	wrdreg $0xFFFFFFFF;
	(pc) =	sbr.abs _section_cstart, $3  }
0xc0: {  	[dreg:$0x1] =	wrdreg $0xFFFFFFFF  }
0xc1: {  	_ =	task.clear_ibuf [dreg:s6], $0x2FFFF;
	_ =	strace $0x9FFFFFFF  }
0xc2: {  	(tm) =	ssettm $0x7FFFFFFF  }
0xc3: {  	_ =	shalt  }
tec
execute0_lowered:
.L_overlay_start_1:
0x0: {  	(tag) =	ssettag $0x1  }
0x1: {  	s7 =	rddreg [dreg:$0x0]  }
0x2: {  	s0 =	srdreg.scid;
	s2 =	rddreg [dreg:$0x1];
	s3 =	simm.s32 $0x0  }
0x3: {  	s13 =	simm.s32 $0x7D;
	s14 =	simm.s32 $0x1;
	s6 =	sand.u32 $0x1, s0  }
0x4: {  	s15 =	simm.s32 $0x0;
	s0 =	stileid.u32;
	s5 =	smul.u32 $0x140000, s6  }
0x5: {  	[smem:$0x7FF] =	sst s3;
	s1 =	sshll.u32 s6, $0x4;
	s8 =	smul.u32 $0x14000, s0  }
0x6: {  	s10 =	smul.u32 $0x50000, s0;
	s6 =	ssub.s32 $0x2, s6;
	s1 =	sor.u32 s0, s1  }
0x7: {  	s11 =	sshll.u32 s0, $0x6;
	s31 =	sshrl.u32 s6, $0x1;
	s4 =	smul.u32 $0x500, s1  }
0x8: {  	s1 =	rddreg [dreg:$0x2];
	_ =	strace $0x80000047;
	s5 =	sadd.s32 s8, s5  }
0x9: {  	s10 =	sshrl.u32 s10, $0x2;
	s12 =	ssub.s32 s6, s31;
	s6 =	sor.u32 $0x1C02, s11  }
0xa: {  	s11 =	simm.s32 $0x2;
	s8 =	sshrl.u32 s5, $0x3;
	s5 =	sadd.s32 $0xCE00, s7  }
0xb: {  	s10 =	sadd.s32 s10, s2;
	s9 =	sadd.s32 s4, s7;
	s4 =	sadd.s32 $0xF600, s7  }
0xc: {  	s8 =	sadd.s32 s8, s7;
	s10 =	sshrl.u32 s10, $0x3;
	s7 =	sadd.s32 $0x2E00, s9  }
0xd: {  	s8 =	sadd.s32 $0xFE00, s8;
	s9 =	smax.u32 s12, $0x1;
	s12 =	simm.s32 $0x2800  }
.LBB2_1:
0xe: {  	[spmem:s10], [sflag:s6] =	dma.local [hbm:s5], $0x2800  }
0xf: {  	_ =	swait.ge [sflag:s11], $0x2800  }
0x10: {  	[sflag:s11] =	ssyncset.done $0x0  }
0x11: {  	[sflag:s11] =	ssyncadd.s32 $0xFFFFD800  }
0x12: {  	[tilespmem:s12], [sflag:$0x2] =	stream.linear.gather [hbm4b:s4+s3], $0x3E80, $0x38;
	[tilespmem:$0x1A800] =	vst v63  }
0x13: {  	_ =	swait.ge [sflag:s11], $0x3E80  }
0x14: {  	[sflag:s11] =	ssyncset.done $0x0  }
0x15: {  	[sflag:s11] =	ssyncadd.s32 $0xFFFFC180  }
0x16: {  	[tilespmem:s3], [sflag:$0x2] =	stream.linear.gather [hbm4b:s7+s3], $0x2800, $0x38;
	[tilespmem:$0x1A800] =	vst v63  }
0x17: {  	_ =	swait.ge [sflag:s11], $0x2800  }
0x18: {  	[sflag:s11] =	ssyncset.done $0x0  }
0x19: {  	[sflag:s11] =	ssyncadd.s32 $0xFFFFD800  }
0x1a: {  	s16 =	simm.s32 $0x0;
	[bflag:$0x0] =	sbarrier.arrive $0xFFFF  }
0x1b: {  	[spmem:s2] =	stream.indirect.scatter.add.f32 [tilespmem:s12], [sflag:$0x1], $0x80, s16, s13, $0xb8;
	[tilespmem:$0x1A800] =	vst v63  }
0x1c: {  	s24 =	simm.s32 $0x80  }
0x1d: {  	[spmem:s2] =	stream.indirect.scatter.add.f32 [tilespmem:s12], [sflag:$0x1], $0x80, s24, s13, $0xb8;
	[tilespmem:$0x1A800] =	vst v63  }
0x1e: {  	s25 =	simm.s32 $0x100  }
0x1f: {  	[spmem:s2] =	stream.indirect.scatter.add.f32 [tilespmem:s12], [sflag:$0x1], $0x80, s25, s13, $0xb8;
	[tilespmem:$0x1A800] =	vst v63  }
0x20: {  	s26 =	simm.s32 $0x180  }
0x21: {  	[spmem:s2] =	stream.indirect.scatter.add.f32 [tilespmem:s12], [sflag:$0x1], $0x80, s26, s13, $0xb8;
	[tilespmem:$0x1A800] =	vst v63  }
0x22: {  	s28 =	simm.s32 $0x200  }
0x23: {  	[spmem:s2] =	stream.indirect.scatter.add.f32 [tilespmem:s12], [sflag:$0x1], $0x80, s28, s13, $0xb8;
	[tilespmem:$0x1A800] =	vst v63  }
0x24: {  	s29 =	simm.s32 $0x280  }
0x25: {  	[spmem:s2] =	stream.indirect.scatter.add.f32 [tilespmem:s12], [sflag:$0x1], $0x80, s29, s13, $0xb8;
	[tilespmem:$0x1A800] =	vst v63  }
0x26: {  	s30 =	simm.s32 $0x300  }
0x27: {  	[spmem:s2] =	stream.indirect.scatter.add.f32 [tilespmem:s12], [sflag:$0x1], $0x80, s30, s13, $0xb8;
	[tilespmem:$0x1A800] =	vst v63  }
0x28: {  	s31 =	simm.s32 $0x380  }
0x29: {  	[spmem:s2] =	stream.indirect.scatter.add.f32 [tilespmem:s12], [sflag:$0x1], $0x80, s31, s13, $0xb8;
	[tilespmem:$0x1A800] =	vst v63  }
0x2a: {  	_ =	swait.ge [sflag:s14], $0x3E80  }
0x2b: {  	[sflag:s14] =	ssyncset.done $0x0  }
0x2c: {  	[sflag:s14] =	ssyncadd.s32 $0xFFFFC180  }
0x2d: {  	_ =	swait.ge [sflag:s14], $0x3E80  }
0x2e: {  	[sflag:s14] =	ssyncset.done $0x0  }
0x2f: {  	[sflag:s14] =	ssyncadd.s32 $0xFFFFC180  }
0x30: {  	_ =	swait.ge [sflag:s14], $0x3E80  }
0x31: {  	[sflag:s14] =	ssyncset.done $0x0  }
0x32: {  	[sflag:s14] =	ssyncadd.s32 $0xFFFFC180  }
0x33: {  	_ =	swait.ge [sflag:s14], $0x3E80  }
0x34: {  	[sflag:s14] =	ssyncset.done $0x0  }
0x35: {  	[sflag:s14] =	ssyncadd.s32 $0xFFFFC180  }
0x36: {  	_ =	swait.ge [sflag:s14], $0x3E80  }
0x37: {  	[sflag:s14] =	ssyncset.done $0x0  }
0x38: {  	[sflag:s14] =	ssyncadd.s32 $0xFFFFC180  }
0x39: {  	_ =	swait.ge [sflag:s14], $0x3E80  }
0x3a: {  	[sflag:s14] =	ssyncset.done $0x0  }
0x3b: {  	[sflag:s14] =	ssyncadd.s32 $0xFFFFC180  }
0x3c: {  	_ =	swait.ge [sflag:s14], $0x3E80  }
0x3d: {  	[sflag:s14] =	ssyncset.done $0x0  }
0x3e: {  	[sflag:s14] =	ssyncadd.s32 $0xFFFFC180  }
0x3f: {  	_ =	swait.ge [sflag:s14], $0x3E80  }
0x40: {  	s18 =	simm.s32 $0x2000;
	s16 =	simm.s32 $0x1000;
	[sflag:s14] =	ssyncset.done $0x0  }
.LBB2_2:
0x41: {  	s19 =	sshra.s32 s16, $0x2  }
0x42: {  	[sflag:s14] =	ssyncadd.s32 $0xFFFFC180;
	s16 =	smov.u32 s18;
	s17 =	sadd.s32 $0x1000, s18  }
0x43: {  	[spmem:s2] =	stream.indirect.scatter.add.f32 [tilespmem:s12], [sflag:$0x1], $0x80, s19, s13, $0xb8;
	[tilespmem:$0x1A800] =	vst v63  }
0x44: {  	p0 =	sne.s32 s18, $0x9000;
	s18 =	sadd.s32 $0x80, s19  }
0x45: {  	[spmem:s2] =	stream.indirect.scatter.add.f32 [tilespmem:s12], [sflag:$0x1], $0x80, s18, s13, $0xb8;
	[tilespmem:$0x1A800] =	vst v63  }
0x46: {  	s18 =	sadd.s32 $0x100, s19  }
0x47: {  	[spmem:s2] =	stream.indirect.scatter.add.f32 [tilespmem:s12], [sflag:$0x1], $0x80, s18, s13, $0xb8;
	[tilespmem:$0x1A800] =	vst v63  }
0x48: {  	s18 =	sadd.s32 $0x180, s19  }
0x49: {  	[spmem:s2] =	stream.indirect.scatter.add.f32 [tilespmem:s12], [sflag:$0x1], $0x80, s18, s13, $0xb8;
	[tilespmem:$0x1A800] =	vst v63  }
0x4a: {  	s18 =	sadd.s32 $0x200, s19  }
0x4b: {  	[spmem:s2] =	stream.indirect.scatter.add.f32 [tilespmem:s12], [sflag:$0x1], $0x80, s18, s13, $0xb8;
	[tilespmem:$0x1A800] =	vst v63  }
0x4c: {  	s18 =	sadd.s32 $0x280, s19  }
0x4d: {  	[spmem:s2] =	stream.indirect.scatter.add.f32 [tilespmem:s12], [sflag:$0x1], $0x80, s18, s13, $0xb8;
	[tilespmem:$0x1A800] =	vst v63  }
0x4e: {  	s18 =	sadd.s32 $0x300, s19  }
0x4f: {  	[spmem:s2] =	stream.indirect.scatter.add.f32 [tilespmem:s12], [sflag:$0x1], $0x80, s18, s13, $0xb8;
	[tilespmem:$0x1A800] =	vst v63  }
0x50: {  	s18 =	sadd.s32 $0x380, s19  }
0x51: {  	[spmem:s2] =	stream.indirect.scatter.add.f32 [tilespmem:s12], [sflag:$0x1], $0x80, s18, s13, $0xb8;
	[tilespmem:$0x1A800] =	vst v63  }
0x52: {  	_ =	swait.ge [sflag:s14], $0x3E80  }
0x53: {  	[sflag:s14] =	ssyncset.done $0x0  }
0x54: {  	[sflag:s14] =	ssyncadd.s32 $0xFFFFC180  }
0x55: {  	_ =	swait.ge [sflag:s14], $0x3E80  }
0x56: {  	[sflag:s14] =	ssyncset.done $0x0  }
0x57: {  	[sflag:s14] =	ssyncadd.s32 $0xFFFFC180  }
0x58: {  	_ =	swait.ge [sflag:s14], $0x3E80  }
0x59: {  	[sflag:s14] =	ssyncset.done $0x0  }
0x5a: {  	[sflag:s14] =	ssyncadd.s32 $0xFFFFC180  }
0x5b: {  	_ =	swait.ge [sflag:s14], $0x3E80  }
0x5c: {  	[sflag:s14] =	ssyncset.done $0x0  }
0x5d: {  	[sflag:s14] =	ssyncadd.s32 $0xFFFFC180  }
0x5e: {  	_ =	swait.ge [sflag:s14], $0x3E80  }
0x5f: {  	[sflag:s14] =	ssyncset.done $0x0  }
0x60: {  	[sflag:s14] =	ssyncadd.s32 $0xFFFFC180  }
0x61: {  	_ =	swait.ge [sflag:s14], $0x3E80  }
0x62: {  	[sflag:s14] =	ssyncset.done $0x0  }
0x63: {  	[sflag:s14] =	ssyncadd.s32 $0xFFFFC180  }
.Ltmp0:
0x64: {  	_ =	swait.ge [sflag:s14], $0x3E80;
	(pc) =	sbr.rel @p0 .LBB2_2-.Ltmp0, $4  }
0x65: {  	[sflag:s14] =	ssyncset.done $0x0  }
0x66: {  	[sflag:s14] =	ssyncadd.s32 $0xFFFFC180  }
0x67: {  	_ =	swait.ge [sflag:s14], $0x3E80  }
0x68: {  	s18 =	smov.u32 s17;
	[sflag:s14] =	ssyncset.done $0x0  }
0x69: {  	s16 =	sshra.s32 s16, $0x2;
	[sflag:s14] =	ssyncadd.s32 $0xFFFFC180  }
0x6a: {  	[spmem:s2] =	stream.indirect.scatter.add.f32 [tilespmem:s12], [sflag:$0x1], $0x80, s16, s13, $0xb8;
	[tilespmem:$0x1A800] =	vst v63  }
0x6b: {  	s17 =	sadd.s32 $0x80, s16  }
0x6c: {  	[spmem:s2] =	stream.indirect.scatter.add.f32 [tilespmem:s12], [sflag:$0x1], $0x80, s17, s13, $0xb8;
	[tilespmem:$0x1A800] =	vst v63  }
0x6d: {  	s26 =	sadd.s32 $0x100, s16  }
0x6e: {  	[spmem:s2] =	stream.indirect.scatter.add.f32 [tilespmem:s12], [sflag:$0x1], $0x80, s26, s13, $0xb8;
	[tilespmem:$0x1A800] =	vst v63  }
0x6f: {  	s28 =	sadd.s32 $0x180, s16  }
0x70: {  	[spmem:s2] =	stream.indirect.scatter.add.f32 [tilespmem:s12], [sflag:$0x1], $0x80, s28, s13, $0xb8;
	[tilespmem:$0x1A800] =	vst v63  }
0x71: {  	s29 =	sadd.s32 $0x200, s16  }
0x72: {  	[spmem:s2] =	stream.indirect.scatter.add.f32 [tilespmem:s12], [sflag:$0x1], $0x80, s29, s13, $0xb8;
	[tilespmem:$0x1A800] =	vst v63  }
0x73: {  	s30 =	sadd.s32 $0x280, s16  }
0x74: {  	[spmem:s2] =	stream.indirect.scatter.add.f32 [tilespmem:s12], [sflag:$0x1], $0x80, s30, s13, $0xb8;
	[tilespmem:$0x1A800] =	vst v63  }
0x75: {  	s31 =	sadd.s32 $0x300, s16  }
0x76: {  	[spmem:s2] =	stream.indirect.scatter.add.f32 [tilespmem:s12], [sflag:$0x1], $0x80, s31, s13, $0xb8;
	[tilespmem:$0x1A800] =	vst v63  }
0x77: {  	s16 =	sadd.s32 $0x380, s16  }
0x78: {  	[spmem:s2] =	stream.indirect.scatter.add.f32 [tilespmem:s12], [sflag:$0x1], $0x80, s16, s13, $0xb8;
	[tilespmem:$0x1A800] =	vst v63  }
0x79: {  	_ =	swait.ge [sflag:s14], $0x3E80  }
0x7a: {  	[sflag:s14] =	ssyncset.done $0x0  }
0x7b: {  	[sflag:s14] =	ssyncadd.s32 $0xFFFFC180  }
0x7c: {  	_ =	swait.ge [sflag:s14], $0x3E80  }
0x7d: {  	[sflag:s14] =	ssyncset.done $0x0  }
0x7e: {  	[sflag:s14] =	ssyncadd.s32 $0xFFFFC180  }
0x7f: {  	_ =	swait.ge [sflag:s14], $0x3E80  }
0x80: {  	[sflag:s14] =	ssyncset.done $0x0  }
0x81: {  	[sflag:s14] =	ssyncadd.s32 $0xFFFFC180  }
0x82: {  	_ =	swait.ge [sflag:s14], $0x3E80  }
0x83: {  	[sflag:s14] =	ssyncset.done $0x0  }
0x84: {  	[sflag:s14] =	ssyncadd.s32 $0xFFFFC180  }
0x85: {  	_ =	swait.ge [sflag:s14], $0x3E80  }
0x86: {  	[sflag:s14] =	ssyncset.done $0x0  }
0x87: {  	[sflag:s14] =	ssyncadd.s32 $0xFFFFC180  }
0x88: {  	_ =	swait.ge [sflag:s14], $0x3E80  }
0x89: {  	[sflag:s14] =	ssyncset.done $0x0  }
0x8a: {  	[sflag:s14] =	ssyncadd.s32 $0xFFFFC180  }
0x8b: {  	_ =	swait.ge [sflag:s14], $0x3E80  }
0x8c: {  	[sflag:s14] =	ssyncset.done $0x0  }
0x8d: {  	[sflag:s14] =	ssyncadd.s32 $0xFFFFC180  }
0x8e: {  	_ =	swait.ge [sflag:s14], $0x3E80  }
0x8f: {  	s15 =	sadd.s32 $0x1, s15;
	[sflag:s14] =	ssyncset.done $0x0  }
0x90: {  	p0 =	sne.s32 s15, s9;
	[sflag:s14] =	ssyncadd.s32 $0xFFFFC180  }
.Ltmp1:
0x91: {  	[bflag:$0x0] =	sbarrier.arrive $0xFFFF;
	(pc) =	sbr.rel @p0 .LBB2_1-.Ltmp1, $4  }
0x92: {  	[hbm:s8], [sflag:s6] =	dma.local [spmem:s10], $0x2800  }
0x93: {  	_ =	swait.ge [sflag:s11], $0x2800  }
0x94: {  	[sflag:s11] =	ssyncset.done $0x0  }
0x95: {  	[sflag:s11] =	ssyncadd.s32 $0xFFFFD800  }
0x96: {  	_ =	sfence.sel $0x180000  }
0x97: {  	[bflag:$0x0] =	sbarrier.arrive $0xFFFF  }
0x98: {  	p0 =	sne.s32 s0, $0x0;
	_ =	strace $0x90000047  }
0x99: {  	s0 =	sadd.s32 @!p0 $0x100000, s1;
	[bflag:$0x2] =	sbarrier.arrive $0xFFFF  }
0x9a: {  	[sflag:s0] =	ssyncadd.tile.s32 @!p0 $0x1;
	_ =	shalt  }
.Lfunc_end2:
_tile_overlayer_lowered:
.L_overlay_start_2:
0x9b: {  	(tag) =	ssettag $0x2  }
0x9c: {  	s0 =	rddreg [dreg:$0x0];
	s2 =	stileid.u32  }
0x9d: {  	s1 =	rddreg [dreg:$0x1];
	p0 =	sne.s32 s2, $0x0  }
0x9e: {  	s3 =	rddreg [dreg:$0x2];
	[bflag:$0x3] =	sbarrier.arrive $0xFFFF;
	s2 =	simm.s32 @!p0 $0x1C02  }
0x9f: {  	[timem:s3], [sflag:s2] =	dma.local @!p0 [hbm:s0], s1  }
0xa0: {  	s0 =	simm.s32 @!p0 $0x2  }
0xa1: {  	_ =	swait.ge @!p0 [sflag:s0], s1  }
0xa2: {  	s1 =	ssub.s32 @!p0 $0x0, s1;
	[sflag:s0] =	ssyncset.done @!p0 $0x0  }
0xa3: {  	[sflag:s0] =	ssyncadd.s32 @!p0 s1  }
0xa4: {  	[bflag:$0x3] =	sbarrier.arrive $0xFFFF  }
0xa5: {  	_ =	shalt  }

</sc_bundles>
